<compile_context>
chip_gen: v7x
topology: tpu7x:2x2x1
jax: 0.10.2.dev20260603
libtpu: 0.0.44.dev20260713+nightly
codegen_flags: <defaults>
</compile_context>

<pallas_src>
import jax
import jax.numpy as jnp
from jax import lax
from jax.experimental import pallas as pl
from jax.experimental.pallas import tpu as pltpu
from jax.experimental.pallas import tpu_sc as plsc

N = 10000
E = 320000
D = 128
NC = 2
NS = 16
NW = NC * NS
EPW = E // NW
CRAW = 125
CBIG = 128
NCHB = E // CRAW
C = 128
NCH = NCHB
CPT = NCH // NS
NPAD = 10240
RPT = NPAD // NS
L = 16
DH = D // 2
TRows = N // NS
AOFF = N
SROWS = N + NPAD

ROWS_BLK = 1000
GRID_R = N // ROWS_BLK



def _mm_body(x_ref, w_ref, o_ref):
    c = pl.program_id(0)
    mm = lax.dot_general(x_ref[...], w_ref[...], (((1,), (1,)), ((), ())),
                         preferred_element_type=jnp.float32)
    o_ref[...] = jnp.where(c == 0, mm[:, :DH],
                           mm[:, DH:]).astype(jnp.bfloat16)[None]


def _mm(x, w):
    return pl.pallas_call(
        _mm_body,
        grid=(NC, GRID_R),
        in_specs=[
            pl.BlockSpec((ROWS_BLK, D), lambda c, i: (i, 0)),
            pl.BlockSpec((D, D), lambda c, i: (0, 0)),
        ],
        out_specs=pl.BlockSpec((1, ROWS_BLK, DH), lambda c, i: (c, i, 0)),
        out_shape=jax.ShapeDtypeStruct((NC, N, DH), jnp.bfloat16),
    )(x, w)


def _inv_cnt_body(c_ref, o_ref):
    s = jnp.sum(c_ref[...], axis=0)
    o_ref[...] = (2.0 / jnp.maximum(s, 2.0))[:, None]


def _inv_cnt(cnts):
    return pl.pallas_call(
        _inv_cnt_body,
        out_shape=jax.ShapeDtypeStruct((NPAD, 1), jnp.float32),
    )(cnts)


def _combine1_body(pa_ref, pb_ref, inv_ref, x_ref, wr_ref, b_ref, wl2_ref,
                   h_ref, p2_ref):
    agg = jnp.concatenate([pa_ref[...], pb_ref[...]],
                          axis=1).astype(jnp.float32)
    mean_lin = agg * inv_ref[...]
    xr = lax.dot_general(x_ref[...], wr_ref[...], (((1,), (1,)), ((), ())),
                         preferred_element_type=jnp.float32)
    h = jnp.maximum(mean_lin + b_ref[...] + xr, 0.0)
    h_ref[...] = h
    p2 = lax.dot_general(h, wl2_ref[...], (((1,), (1,)), ((), ())),
                         preferred_element_type=jnp.float32)
    c = pl.program_id(0)
    p2_ref[...] = jnp.where(c == 0, p2[:, :DH],
                            p2[:, DH:]).astype(jnp.bfloat16)[None]


def _combine1(pa, pb, inv, x, wr, b, wl2):
    return pl.pallas_call(
        _combine1_body,
        grid=(NC, GRID_R),
        in_specs=[
            pl.BlockSpec((ROWS_BLK, DH), lambda c, i: (i, 0)),
            pl.BlockSpec((ROWS_BLK, DH), lambda c, i: (i, 0)),
            pl.BlockSpec((ROWS_BLK, 1), lambda c, i: (i, 0)),
            pl.BlockSpec((ROWS_BLK, D), lambda c, i: (i, 0)),
            pl.BlockSpec((D, D), lambda c, i: (0, 0)),
            pl.BlockSpec((1, D), lambda c, i: (0, 0)),
            pl.BlockSpec((D, D), lambda c, i: (0, 0)),
        ],
        out_specs=[
            pl.BlockSpec((ROWS_BLK, D), lambda c, i: (i, 0)),
            pl.BlockSpec((1, ROWS_BLK, DH), lambda c, i: (c, i, 0)),
        ],
        out_shape=[
            jax.ShapeDtypeStruct((N, D), jnp.float32),
            jax.ShapeDtypeStruct((NC, N, DH), jnp.bfloat16),
        ],
    )(pa, pb, inv, x, wr, b, wl2)


def _combine2_body(pa_ref, pb_ref, inv_ref, h_ref, wr_ref, b_ref, o_ref):
    agg = jnp.concatenate([pa_ref[...], pb_ref[...]],
                          axis=1).astype(jnp.float32)
    mean_lin = agg * inv_ref[...]
    hr = lax.dot_general(h_ref[...], wr_ref[...], (((1,), (1,)), ((), ())),
                         preferred_element_type=jnp.float32)
    o_ref[...] = mean_lin + b_ref[...] + hr


def _combine2(pa, pb, inv, h, wr, b):
    return pl.pallas_call(
        _combine2_body,
        grid=(GRID_R,),
        in_specs=[
            pl.BlockSpec((ROWS_BLK, DH), lambda i: (i, 0)),
            pl.BlockSpec((ROWS_BLK, DH), lambda i: (i, 0)),
            pl.BlockSpec((ROWS_BLK, 1), lambda i: (i, 0)),
            pl.BlockSpec((ROWS_BLK, D), lambda i: (i, 0)),
            pl.BlockSpec((D, D), lambda i: (0, 0)),
            pl.BlockSpec((1, D), lambda i: (0, 0)),
        ],
        out_specs=pl.BlockSpec((ROWS_BLK, D), lambda i: (i, 0)),
        out_shape=jax.ShapeDtypeStruct((N, D), jnp.float32),
    )(pa, pb, inv, h, wr, b)



def _sc_agg_body(p_hbm, src2_hbm, dst2_hbm, zero_hbm, out_hbm, cnt_hbm,
                 src_all, dst_all, buf0, buf1, cnt_v, big_sh, sem0, sem1,
                 ssem0, ssem1):
    cid = lax.axis_index("c")
    sid = lax.axis_index("s")
    wid = cid * NS + sid

    pltpu.sync_copy(zero_hbm, big_sh.at[pl.ds(AOFF + sid * RPT, RPT)])

    zeros16 = jnp.zeros((L,), jnp.float32)

    def zinit(i, carry):
        cnt_v[pl.ds(i * L, L)] = zeros16
        return carry

    lax.fori_loop(0, NPAD // L, zinit, 0)

    pltpu.sync_copy(p_hbm.at[cid, pl.ds(sid * TRows, TRows)],
                    big_sh.at[pl.ds(sid * TRows, TRows)])
    pltpu.sync_copy(src2_hbm.at[pl.ds(sid * CPT, CPT)], src_all)
    pltpu.sync_copy(dst2_hbm.at[pl.ds(sid * CPT, CPT)], dst_all)
    plsc.subcore_barrier()

    ones16 = jnp.ones((L,), jnp.float32)
    bufs = (buf0, buf1)
    sems = (sem0, sem1)

    def gather_start(j, b):
        pltpu.make_async_copy(big_sh.at[src_all.at[j]], bufs[b],
                              sems[b]).start()

    def gather_wait(b):
        pltpu.make_async_copy(big_sh.at[src_all.at[0]], bufs[b],
                              sems[b]).wait()

    ssems = (ssem0, ssem1)

    def scatter_start(j, b):
        pltpu.async_copy(bufs[b], big_sh.at[dst_all.at[j]],
                         ssems[b], add=True)

    def scatter_wait(j, b):
        pltpu.make_async_copy(bufs[b], big_sh.at[dst_all.at[j]],
                              ssems[b]).wait()

    def counts(j):
        for k in range(C // L):
            d = dst_all[j, pl.ds(k * L, L)] - AOFF
            plsc.addupdate_scatter(cnt_v, [d], ones16)

    gather_start(0, 0)
    gather_start(1, 1)

    def outer(jo, carry):
        j0 = 2 * jo
        j1 = j0 + 1
        gather_wait(0)
        scatter_start(j0, 0)
        counts(j0)
        gather_wait(1)
        scatter_wait(j0, 0)
        gather_start((j0 + 2) % CPT, 0)
        scatter_start(j1, 1)
        counts(j1)
        scatter_wait(j1, 1)
        gather_start((j1 + 2) % CPT, 1)
        return carry

    lax.fori_loop(0, CPT // 2, outer, 0)
    gather_wait(0)
    gather_wait(1)
    plsc.subcore_barrier()

    pltpu.sync_copy(big_sh.at[pl.ds(AOFF + sid * RPT, RPT)],
                    out_hbm.at[cid, pl.ds(sid * RPT, RPT)])
    pltpu.sync_copy(cnt_v, cnt_hbm.at[wid])


def _sc_agg(p, src2, dst2, zeros):
    mesh = plsc.VectorSubcoreMesh(core_axis_name="c", subcore_axis_name="s")
    kern = pl.kernel(
        _sc_agg_body,
        out_type=(
            jax.ShapeDtypeStruct((NC, NPAD, DH), jnp.bfloat16),
            jax.ShapeDtypeStruct((NW, NPAD), jnp.float32),
        ),
        mesh=mesh,
        scratch_types=[
            pltpu.VMEM((CPT, C), jnp.int32),
            pltpu.VMEM((CPT, C), jnp.int32),
            pltpu.VMEM((C, DH), jnp.bfloat16),
            pltpu.VMEM((C, DH), jnp.bfloat16),
            pltpu.VMEM((NPAD,), jnp.float32),
            pltpu.VMEM_SHARED((SROWS, DH), jnp.bfloat16),
            pltpu.SemaphoreType.DMA,
            pltpu.SemaphoreType.DMA,
            pltpu.SemaphoreType.DMA,
            pltpu.SemaphoreType.DMA,
        ],
        compiler_params=pltpu.CompilerParams(needs_layout_passes=False,
                                             use_tc_tiling_on_sc=False),
    )
    return kern(p, src2, dst2, zeros)



def kernel(x, edge_index, Wl1, bl1, Wr1, Wl2, bl2, Wr2):
    ei = edge_index.astype(jnp.int32)
    src2 = jnp.concatenate(
        [ei[0].reshape(NCHB, CRAW),
         jnp.zeros((NCHB, CBIG - CRAW), jnp.int32)], axis=1)
    dst2 = jnp.concatenate(
        [ei[1].reshape(NCHB, CRAW) + AOFF,
         jnp.full((NCHB, CBIG - CRAW), AOFF + NPAD - 1, jnp.int32)],
        axis=1)
    zeros = jnp.zeros((RPT, DH), jnp.bfloat16)
    bl1r = bl1.reshape(1, D)
    bl2r = bl2.reshape(1, D)

    p1 = _mm(x, Wl1)
    parts1, cnts = _sc_agg(p1, src2, dst2, zeros)
    inv = _inv_cnt(cnts)
    h, p2 = _combine1(parts1[0, :N], parts1[1, :N], inv, x, Wr1,
                      bl1r, Wl2)
    parts2, _ = _sc_agg(p2, src2, dst2, zeros)
    out = _combine2(parts2[0, :N], parts2[1, :N], inv, h, Wr2, bl2r)
    return out

# --- scband reference (transcript-rebuilt; emitter-appended) ---
"""Pipeline reference for scband-graph-sagebackbone-26731876451050 (READ-ONLY COPY).

The authoritative reference and input builder live on the scoring server;
editing this copy changes nothing except your own understanding.
"""

import jax, jax.numpy as jnp
import numpy as np

N_NODES = 10000
N_EDGES = 320000
D = 128


def sort_edge_index(edge_index):
    perm = jnp.argsort(edge_index[1])
    return edge_index[:, perm]


def sage_conv(x, edge_index, W_l, b_l, W_r):
    # PyG SAGEConv: out = lin_l(mean_{j in N(i)} x_j) + lin_r(x_i)
    src = edge_index[0]
    dst = edge_index[1]
    msgs = jnp.take(x, src, axis=0)
    agg = jax.ops.segment_sum(msgs, dst, num_segments=x.shape[0])
    cnt = jax.ops.segment_sum(jnp.ones((edge_index.shape[1],), dtype=x.dtype), dst, num_segments=x.shape[0])
    mean = agg / jnp.clip(cnt, 1.0, None)[:, None]
    return mean @ W_l.T + b_l + x @ W_r.T


def setup_inputs(seed: int = 0) -> dict:
    key = jax.random.key(seed)
    ks = jax.random.split(key, 8)
    x = jax.random.normal(ks[0], (N_NODES, D), dtype=jnp.float32)
    edge_index = jax.random.randint(ks[1], (2, N_EDGES), 0, N_NODES, dtype=jnp.int64)
    s = 1.0 / np.sqrt(D)
    Wl1 = jax.random.uniform(ks[2], (D, D), jnp.float32, -s, s)
    bl1 = jax.random.uniform(ks[3], (D,), jnp.float32, -s, s)
    Wr1 = jax.random.uniform(ks[4], (D, D), jnp.float32, -s, s)
    Wl2 = jax.random.uniform(ks[5], (D, D), jnp.float32, -s, s)
    bl2 = jax.random.uniform(ks[6], (D,), jnp.float32, -s, s)
    Wr2 = jax.random.uniform(ks[7], (D, D), jnp.float32, -s, s)
    return {"x": x, "edge_index": edge_index, "Wl1": Wl1, "bl1": bl1, "Wr1": Wr1, "Wl2": Wl2, "bl2": bl2, "Wr2": Wr2}


def reference(x, edge_index, Wl1, bl1, Wr1, Wl2, bl2, Wr2):
    edge_index = sort_edge_index(edge_index)
    h = sage_conv(x, edge_index, Wl1, bl1, Wr1)
    h = jax.nn.relu(h)
    out = sage_conv(h, edge_index, Wl2, bl2, Wr2)
    return out

if __name__ == "__main__":
    import jax
    _d = setup_inputs()
    print(jax.jit(kernel)(*tuple(_d.values())))

</pallas_src>

<mosaic_0001>
#map = affine_map<(d0, d1) -> (0, 0, 0)>
#map1 = affine_map<(d0, d1) -> (0, 0)>
module attributes {stable_mosaic.version = 14 : i64} {
  func.func @_sc_agg_body(%arg0: i32, %arg1: i32, %arg2: memref<2x10000x64xbf16, #tpu.memory_space<hbm>>, %arg3: memref<2560x128xi32, #tpu.memory_space<hbm>>, %arg4: memref<2560x128xi32, #tpu.memory_space<hbm>>, %arg5: memref<640x64xbf16, #tpu.memory_space<hbm>>, %arg6: memref<2x10240x64xbf16, #tpu.memory_space<hbm>>, %arg7: memref<32x10240xf32, #tpu.memory_space<hbm>>, %arg8: memref<160x128xi32, #tpu.memory_space<vmem>>, %arg9: memref<160x128xi32, #tpu.memory_space<vmem>>, %arg10: memref<128x64xbf16, #tpu.memory_space<vmem>>, %arg11: memref<128x64xbf16, #tpu.memory_space<vmem>>, %arg12: memref<10240xf32, #tpu.memory_space<vmem>>, %arg13: memref<20240x64xbf16, #tpu.memory_space<vmem_shared>>, %arg14: memref<!tpu.dma_semaphore, #tpu.memory_space<semaphore_mem>>, %arg15: memref<!tpu.dma_semaphore, #tpu.memory_space<semaphore_mem>>, %arg16: memref<!tpu.dma_semaphore, #tpu.memory_space<semaphore_mem>>, %arg17: memref<!tpu.dma_semaphore, #tpu.memory_space<semaphore_mem>>) attributes {dimension_semantics = [#tpu.dimension_semantics<core_parallel>, #tpu.dimension_semantics<subcore_parallel>], iteration_bounds = array<i64: 2, 16>, scalar_prefetch = 0 : i64, scratch_operands = 10 : i64, tpu.core_type = #tpu.core_type<sc_vector_subcore>, window_params = [{transform_indices = #map}, {transform_indices = #map1}, {transform_indices = #map1}, {transform_indices = #map1}, {transform_indices = #map}, {transform_indices = #map1}]} {
    %mul3A = arith.constant 16 : i32
    %mul3A_0 = arith.muli %arg0, %mul3A : i32
    %add3A = arith.addi %mul3A_0, %arg1 : i32
    %mul3A_1 = arith.constant 640 : i32
    %mul3A_2 = arith.muli %arg1, %mul3A_1 : i32
    %add3A_3 = arith.constant 10000 : i32
    %add3A_4 = arith.addi %add3A_3, %mul3A_2 : i32
    "tpu.region"() ({
      %run_scoped3A = tpu.sem_alloc : memref<!tpu.dma_semaphore, #tpu.memory_space<semaphore_mem>>
      %dma_start3A_60 = arith.constant 0 : i32
      %dma_start3A_61 = tpu.memref_slice %arg13[%add3A_4, %dma_start3A_60] : memref<20240x64xbf16, #tpu.memory_space<vmem_shared>> -> memref<640x64xbf16, #tpu.memory_space<vmem_shared>>
      tpu.enqueue_dma source(%arg5 : memref<640x64xbf16, #tpu.memory_space<hbm>>) target(%dma_start3A_61 : memref<640x64xbf16, #tpu.memory_space<vmem_shared>>) target_semaphore(%run_scoped3A : memref<!tpu.dma_semaphore, #tpu.memory_space<semaphore_mem>>)
      %dma_wait3A_62 = arith.constant 0 : i32
      %dma_wait3A_63 = tpu.memref_slice %arg13[%add3A_4, %dma_wait3A_62] : memref<20240x64xbf16, #tpu.memory_space<vmem_shared>> -> memref<640x64xbf16, #tpu.memory_space<vmem_shared>>
      tpu.wait_dma2 semaphore(%run_scoped3A : memref<!tpu.dma_semaphore, #tpu.memory_space<semaphore_mem>>) src(%arg5 : memref<640x64xbf16, #tpu.memory_space<hbm>>) dst(%dma_wait3A_63 : memref<640x64xbf16, #tpu.memory_space<vmem_shared>>)
      tpu.yield
    }) : () -> ()
    %broadcast_in_dim3A = arith.constant 0.000000e+00 : f32
    %broadcast_in_dim3A_5 = vector.broadcast %broadcast_in_dim3A : f32 to vector<16xf32>
    %scan3A = arith.constant 0 : i32
    %scan3A_6 = arith.constant 0 : i32
    %scan3A_7 = arith.constant 640 : i32
    %scan3A_8 = arith.addi %scan3A_6, %scan3A_7 : i32
    %scan3A_9 = arith.constant 1 : i32
    scf.for %scan3A_60 = %scan3A_6 to %scan3A_8 step %scan3A_9  : i32 {
      %mul3A_61 = arith.constant 16 : i32
      %mul3A_62 = arith.muli %scan3A_60, %mul3A_61 : i32
      %swap3A = arith.index_cast %mul3A_62 : i32 to index
      %swap3A_63 = tpu.vector_load %arg12[%swap3A] {strides = array<i32>} : memref<10240xf32, #tpu.memory_space<vmem>>, vector<16xf32>,
      tpu.vector_store %arg12[%swap3A], %broadcast_in_dim3A_5 {strides = array<i32>} : memref<10240xf32, #tpu.memory_space<vmem>>, vector<16xf32>,
    }
    %scan3A_10 = arith.constant 640 : i32
    %mul3A_11 = arith.constant 625 : i32
    %mul3A_12 = arith.muli %arg1, %mul3A_11 : i32
    %mul3A_13 = arith.constant 625 : i32
    %mul3A_14 = arith.muli %arg1, %mul3A_13 : i32
    "tpu.region"() ({
      %run_scoped3A = tpu.sem_alloc : memref<!tpu.dma_semaphore, #tpu.memory_space<semaphore_mem>>
      %dma_start3A_60 = arith.constant 0 : i32
      %dma_start3A_61 = tpu.memref_slice %arg13[%mul3A_14, %dma_start3A_60] : memref<20240x64xbf16, #tpu.memory_space<vmem_shared>> -> memref<625x64xbf16, #tpu.memory_space<vmem_shared>>
      %dma_start3A_62 = arith.constant 0 : i32
      %dma_start3A_63 = tpu.memref_slice %arg2[%arg0, %mul3A_12, %dma_start3A_62] : memref<2x10000x64xbf16, #tpu.memory_space<hbm>> -> memref<1x625x64xbf16, #tpu.memory_space<hbm>>
      %dma_start3A_64 = tpu.memref_squeeze %dma_start3A_63 : memref<1x625x64xbf16, #tpu.memory_space<hbm>> -> memref<625x64xbf16, #tpu.memory_space<hbm>>
      tpu.enqueue_dma source(%dma_start3A_64 : memref<625x64xbf16, #tpu.memory_space<hbm>>) target(%dma_start3A_61 : memref<625x64xbf16, #tpu.memory_space<vmem_shared>>) target_semaphore(%run_scoped3A : memref<!tpu.dma_semaphore, #tpu.memory_space<semaphore_mem>>)
      %dma_wait3A_65 = arith.constant 0 : i32
      %dma_wait3A_66 = tpu.memref_slice %arg13[%mul3A_14, %dma_wait3A_65] : memref<20240x64xbf16, #tpu.memory_space<vmem_shared>> -> memref<625x64xbf16, #tpu.memory_space<vmem_shared>>
      %dma_wait3A_67 = arith.constant 0 : i32
      %dma_wait3A_68 = tpu.memref_slice %arg2[%arg0, %mul3A_12, %dma_wait3A_67] : memref<2x10000x64xbf16, #tpu.memory_space<hbm>> -> memref<1x625x64xbf16, #tpu.memory_space<hbm>>
      %dma_wait3A_69 = tpu.memref_squeeze %dma_wait3A_68 : memref<1x625x64xbf16, #tpu.memory_space<hbm>> -> memref<625x64xbf16, #tpu.memory_space<hbm>>
      tpu.wait_dma2 semaphore(%run_scoped3A : memref<!tpu.dma_semaphore, #tpu.memory_space<semaphore_mem>>) src(%dma_wait3A_69 : memref<625x64xbf16, #tpu.memory_space<hbm>>) dst(%dma_wait3A_66 : memref<625x64xbf16, #tpu.memory_space<vmem_shared>>)
      tpu.yield
    }) : () -> ()
    %mul3A_15 = arith.constant 160 : i32
    %mul3A_16 = arith.muli %arg1, %mul3A_15 : i32
    "tpu.region"() ({
      %run_scoped3A = tpu.sem_alloc : memref<!tpu.dma_semaphore, #tpu.memory_space<semaphore_mem>>
      %dma_start3A_60 = arith.constant 0 : i32
      %dma_start3A_61 = tpu.memref_slice %arg3[%mul3A_16, %dma_start3A_60] : memref<2560x128xi32, #tpu.memory_space<hbm>> -> memref<160x128xi32, #tpu.memory_space<hbm>>
      %dma_start3A_62 = arith.constant 0 : i32
      %dma_start3A_63 = tpu.memref_slice %arg3[%mul3A_16, %dma_start3A_62] : memref<2560x128xi32, #tpu.memory_space<hbm>> -> memref<160x128xi32, #tpu.memory_space<hbm>>
      tpu.enqueue_dma source(%dma_start3A_63 : memref<160x128xi32, #tpu.memory_space<hbm>>) target(%arg8 : memref<160x128xi32, #tpu.memory_space<vmem>>) target_semaphore(%run_scoped3A : memref<!tpu.dma_semaphore, #tpu.memory_space<semaphore_mem>>)
      %dma_wait3A_64 = arith.constant 0 : i32
      %dma_wait3A_65 = tpu.memref_slice %arg3[%mul3A_16, %dma_wait3A_64] : memref<2560x128xi32, #tpu.memory_space<hbm>> -> memref<160x128xi32, #tpu.memory_space<hbm>>
      %dma_wait3A_66 = arith.constant 0 : i32
      %dma_wait3A_67 = tpu.memref_slice %arg3[%mul3A_16, %dma_wait3A_66] : memref<2560x128xi32, #tpu.memory_space<hbm>> -> memref<160x128xi32, #tpu.memory_space<hbm>>
      tpu.wait_dma2 semaphore(%run_scoped3A : memref<!tpu.dma_semaphore, #tpu.memory_space<semaphore_mem>>) src(%dma_wait3A_67 : memref<160x128xi32, #tpu.memory_space<hbm>>) dst(%arg8 : memref<160x128xi32, #tpu.memory_space<vmem>>)
      tpu.yield
    }) : () -> ()
    %mul3A_17 = arith.constant 160 : i32
    %mul3A_18 = arith.muli %arg1, %mul3A_17 : i32
    "tpu.region"() ({
      %run_scoped3A = tpu.sem_alloc : memref<!tpu.dma_semaphore, #tpu.memory_space<semaphore_mem>>
      %dma_start3A_60 = arith.constant 0 : i32
      %dma_start3A_61 = tpu.memref_slice %arg4[%mul3A_18, %dma_start3A_60] : memref<2560x128xi32, #tpu.memory_space<hbm>> -> memref<160x128xi32, #tpu.memory_space<hbm>>
      %dma_start3A_62 = arith.constant 0 : i32
      %dma_start3A_63 = tpu.memref_slice %arg4[%mul3A_18, %dma_start3A_62] : memref<2560x128xi32, #tpu.memory_space<hbm>> -> memref<160x128xi32, #tpu.memory_space<hbm>>
      tpu.enqueue_dma source(%dma_start3A_63 : memref<160x128xi32, #tpu.memory_space<hbm>>) target(%arg9 : memref<160x128xi32, #tpu.memory_space<vmem>>) target_semaphore(%run_scoped3A : memref<!tpu.dma_semaphore, #tpu.memory_space<semaphore_mem>>)
      %dma_wait3A_64 = arith.constant 0 : i32
      %dma_wait3A_65 = tpu.memref_slice %arg4[%mul3A_18, %dma_wait3A_64] : memref<2560x128xi32, #tpu.memory_space<hbm>> -> memref<160x128xi32, #tpu.memory_space<hbm>>
      %dma_wait3A_66 = arith.constant 0 : i32
      %dma_wait3A_67 = tpu.memref_slice %arg4[%mul3A_18, %dma_wait3A_66] : memref<2560x128xi32, #tpu.memory_space<hbm>> -> memref<160x128xi32, #tpu.memory_space<hbm>>
      tpu.wait_dma2 semaphore(%run_scoped3A : memref<!tpu.dma_semaphore, #tpu.memory_space<semaphore_mem>>) src(%dma_wait3A_67 : memref<160x128xi32, #tpu.memory_space<hbm>>) dst(%arg9 : memref<160x128xi32, #tpu.memory_space<vmem>>)
      tpu.yield
    }) : () -> ()
    %barrier3A = arith.constant 0 : index
    tpu.barrier barrier_id(%barrier3A)
    %broadcast_in_dim3A_19 = arith.constant 1.000000e+00 : f32
    %broadcast_in_dim3A_20 = vector.broadcast %broadcast_in_dim3A_19 : f32 to vector<16xf32>
    %dma_start3A = arith.constant 0 : i32
    %dma_start3A_21 = arith.constant 0 : i32
    %dma_start3A_22 = tpu.memref_slice %arg8[%dma_start3A, %dma_start3A_21] : memref<160x128xi32, #tpu.memory_space<vmem>> -> memref<1x128xi32, #tpu.memory_space<vmem>>
    %dma_start3A_23 = tpu.memref_squeeze %dma_start3A_22 : memref<1x128xi32, #tpu.memory_space<vmem>> -> memref<128xi32, #tpu.memory_space<vmem>>
    %dma_start3A_24 = arith.constant 0 : i32
    %dma_start3A_25 = arith.constant 0 : i32
    %dma_start3A_26 = tpu.memref_slice %arg13[%dma_start3A_24, %dma_start3A_25] : memref<20240x64xbf16, #tpu.memory_space<vmem_shared>> -> memref<20240x64xbf16, #tpu.memory_space<vmem_shared>>
    tpu.enqueue_indirect_dma source(%dma_start3A_26 : memref<20240x64xbf16, #tpu.memory_space<vmem_shared>>) target(%arg10 : memref<128x64xbf16, #tpu.memory_space<vmem>>) offsets(%dma_start3A_23 : memref<128xi32, #tpu.memory_space<vmem>>) semaphore(%arg14 : memref<!tpu.dma_semaphore, #tpu.memory_space<semaphore_mem>>)
    %dma_start3A_27 = arith.constant 1 : i32
    %dma_start3A_28 = arith.constant 0 : i32
    %dma_start3A_29 = tpu.memref_slice %arg8[%dma_start3A_27, %dma_start3A_28] : memref<160x128xi32, #tpu.memory_space<vmem>> -> memref<1x128xi32, #tpu.memory_space<vmem>>
    %dma_start3A_30 = tpu.memref_squeeze %dma_start3A_29 : memref<1x128xi32, #tpu.memory_space<vmem>> -> memref<128xi32, #tpu.memory_space<vmem>>
    %dma_start3A_31 = arith.constant 0 : i32
    %dma_start3A_32 = arith.constant 0 : i32
    %dma_start3A_33 = tpu.memref_slice %arg13[%dma_start3A_31, %dma_start3A_32] : memref<20240x64xbf16, #tpu.memory_space<vmem_shared>> -> memref<20240x64xbf16, #tpu.memory_space<vmem_shared>>
    tpu.enqueue_indirect_dma source(%dma_start3A_33 : memref<20240x64xbf16, #tpu.memory_space<vmem_shared>>) target(%arg11 : memref<128x64xbf16, #tpu.memory_space<vmem>>) offsets(%dma_start3A_30 : memref<128xi32, #tpu.memory_space<vmem>>) semaphore(%arg15 : memref<!tpu.dma_semaphore, #tpu.memory_space<semaphore_mem>>)
    %scan3A_34 = arith.constant 0 : i32
    %scan3A_35 = arith.constant 0 : i32
    %scan3A_36 = arith.constant 80 : i32
    %scan3A_37 = arith.addi %scan3A_35, %scan3A_36 : i32
    %scan3A_38 = arith.constant 1 : i32
    scf.for %scan3A_60 = %scan3A_35 to %scan3A_37 step %scan3A_38  : i32 {
      %mul3A_61 = arith.constant 2 : i32
      %mul3A_62 = arith.muli %mul3A_61, %scan3A_60 : i32
      %add3A_63 = arith.constant 1 : i32
      %add3A_64 = arith.addi %mul3A_62, %add3A_63 : i32
      %dma_wait3A_65 = arith.constant 0 : i32
      %dma_wait3A_66 = arith.constant 0 : i32
      %dma_wait3A_67 = tpu.memref_slice %arg8[%dma_wait3A_65, %dma_wait3A_66] : memref<160x128xi32, #tpu.memory_space<vmem>> -> memref<1x128xi32, #tpu.memory_space<vmem>>
      %dma_wait3A_68 = tpu.memref_squeeze %dma_wait3A_67 : memref<1x128xi32, #tpu.memory_space<vmem>> -> memref<128xi32, #tpu.memory_space<vmem>>
      %dma_wait3A_69 = arith.constant 0 : i32
      %dma_wait3A_70 = arith.constant 0 : i32
      %dma_wait3A_71 = tpu.memref_slice %arg13[%dma_wait3A_69, %dma_wait3A_70] : memref<20240x64xbf16, #tpu.memory_space<vmem_shared>> -> memref<20240x64xbf16, #tpu.memory_space<vmem_shared>>
      tpu.wait_indirect_dma semaphore(%arg14 : memref<!tpu.dma_semaphore, #tpu.memory_space<semaphore_mem>>) src(%dma_wait3A_71 : memref<20240x64xbf16, #tpu.memory_space<vmem_shared>>) dst(%arg10 : memref<128x64xbf16, #tpu.memory_space<vmem>>)
      %dma_start3A_72 = arith.constant 0 : i32
      %dma_start3A_73 = tpu.memref_slice %arg9[%mul3A_62, %dma_start3A_72] : memref<160x128xi32, #tpu.memory_space<vmem>> -> memref<1x128xi32, #tpu.memory_space<vmem>>
      %dma_start3A_74 = tpu.memref_squeeze %dma_start3A_73 : memref<1x128xi32, #tpu.memory_space<vmem>> -> memref<128xi32, #tpu.memory_space<vmem>>
      %dma_start3A_75 = arith.constant 0 : i32
      %dma_start3A_76 = arith.constant 0 : i32
      %dma_start3A_77 = tpu.memref_slice %arg13[%dma_start3A_75, %dma_start3A_76] : memref<20240x64xbf16, #tpu.memory_space<vmem_shared>> -> memref<20240x64xbf16, #tpu.memory_space<vmem_shared>>
      tpu.enqueue_indirect_dma source(%arg10 : memref<128x64xbf16, #tpu.memory_space<vmem>>) target(%dma_start3A_77 : memref<20240x64xbf16, #tpu.memory_space<vmem_shared>>) offsets(%dma_start3A_74 : memref<128xi32, #tpu.memory_space<vmem>>) semaphore(%arg16 : memref<!tpu.dma_semaphore, #tpu.memory_space<semaphore_mem>>) {add = true}
      %get3A = arith.index_cast %mul3A_62 : i32 to index
      %get3A_78 = arith.constant 0 : index
      %get3A_79 = tpu.vector_load %arg9[%get3A, %get3A_78] {strides = array<i32>} : memref<160x128xi32, #tpu.memory_space<vmem>>, vector<16xi32>,
      %sub3A = arith.constant 10000 : i32
      %sub3A_80 = vector.broadcast %sub3A : i32 to vector<16xi32>
      %sub3A_81 = arith.subi %get3A_79, %sub3A_80 : vector<16xi32>
      tpu.vector_store_idx %arg12[%sub3A_81], %broadcast_in_dim3A_20 {add = true} : memref<10240xf32, #tpu.memory_space<vmem>>[vector<16xi32>], vector<16xf32>,
      %get3A_82 = arith.index_cast %mul3A_62 : i32 to index
      %get3A_83 = arith.constant 16 : index
      %get3A_84 = tpu.vector_load %arg9[%get3A_82, %get3A_83] {strides = array<i32>} : memref<160x128xi32, #tpu.memory_space<vmem>>, vector<16xi32>,
      %sub3A_85 = arith.constant 10000 : i32
      %sub3A_86 = vector.broadcast %sub3A_85 : i32 to vector<16xi32>
      %sub3A_87 = arith.subi %get3A_84, %sub3A_86 : vector<16xi32>
      tpu.vector_store_idx %arg12[%sub3A_87], %broadcast_in_dim3A_20 {add = true} : memref<10240xf32, #tpu.memory_space<vmem>>[vector<16xi32>], vector<16xf32>,
      %get3A_88 = arith.index_cast %mul3A_62 : i32 to index
      %get3A_89 = arith.constant 32 : index
      %get3A_90 = tpu.vector_load %arg9[%get3A_88, %get3A_89] {strides = array<i32>} : memref<160x128xi32, #tpu.memory_space<vmem>>, vector<16xi32>,
      %sub3A_91 = arith.constant 10000 : i32
      %sub3A_92 = vector.broadcast %sub3A_91 : i32 to vector<16xi32>
      %sub3A_93 = arith.subi %get3A_90, %sub3A_92 : vector<16xi32>
      tpu.vector_store_idx %arg12[%sub3A_93], %broadcast_in_dim3A_20 {add = true} : memref<10240xf32, #tpu.memory_space<vmem>>[vector<16xi32>], vector<16xf32>,
      %get3A_94 = arith.index_cast %mul3A_62 : i32 to index
      %get3A_95 = arith.constant 48 : index
      %get3A_96 = tpu.vector_load %arg9[%get3A_94, %get3A_95] {strides = array<i32>} : memref<160x128xi32, #tpu.memory_space<vmem>>, vector<16xi32>,
      %sub3A_97 = arith.constant 10000 : i32
      %sub3A_98 = vector.broadcast %sub3A_97 : i32 to vector<16xi32>
      %sub3A_99 = arith.subi %get3A_96, %sub3A_98 : vector<16xi32>
      tpu.vector_store_idx %arg12[%sub3A_99], %broadcast_in_dim3A_20 {add = true} : memref<10240xf32, #tpu.memory_space<vmem>>[vector<16xi32>], vector<16xf32>,
      %get3A_100 = arith.index_cast %mul3A_62 : i32 to index
      %get3A_101 = arith.constant 64 : index
      %get3A_102 = tpu.vector_load %arg9[%get3A_100, %get3A_101] {strides = array<i32>} : memref<160x128xi32, #tpu.memory_space<vmem>>, vector<16xi32>,
      %sub3A_103 = arith.constant 10000 : i32
      %sub3A_104 = vector.broadcast %sub3A_103 : i32 to vector<16xi32>
      %sub3A_105 = arith.subi %get3A_102, %sub3A_104 : vector<16xi32>
      tpu.vector_store_idx %arg12[%sub3A_105], %broadcast_in_dim3A_20 {add = true} : memref<10240xf32, #tpu.memory_space<vmem>>[vector<16xi32>], vector<16xf32>,
      %get3A_106 = arith.index_cast %mul3A_62 : i32 to index
      %get3A_107 = arith.constant 80 : index
      %get3A_108 = tpu.vector_load %arg9[%get3A_106, %get3A_107] {strides = array<i32>} : memref<160x128xi32, #tpu.memory_space<vmem>>, vector<16xi32>,
      %sub3A_109 = arith.constant 10000 : i32
      %sub3A_110 = vector.broadcast %sub3A_109 : i32 to vector<16xi32>
      %sub3A_111 = arith.subi %get3A_108, %sub3A_110 : vector<16xi32>
      tpu.vector_store_idx %arg12[%sub3A_111], %broadcast_in_dim3A_20 {add = true} : memref<10240xf32, #tpu.memory_space<vmem>>[vector<16xi32>], vector<16xf32>,
      %get3A_112 = arith.index_cast %mul3A_62 : i32 to index
      %get3A_113 = arith.constant 96 : index
      %get3A_114 = tpu.vector_load %arg9[%get3A_112, %get3A_113] {strides = array<i32>} : memref<160x128xi32, #tpu.memory_space<vmem>>, vector<16xi32>,
      %sub3A_115 = arith.constant 10000 : i32
      %sub3A_116 = vector.broadcast %sub3A_115 : i32 to vector<16xi32>
      %sub3A_117 = arith.subi %get3A_114, %sub3A_116 : vector<16xi32>
      tpu.vector_store_idx %arg12[%sub3A_117], %broadcast_in_dim3A_20 {add = true} : memref<10240xf32, #tpu.memory_space<vmem>>[vector<16xi32>], vector<16xf32>,
      %get3A_118 = arith.index_cast %mul3A_62 : i32 to index
      %get3A_119 = arith.constant 112 : index
      %get3A_120 = tpu.vector_load %arg9[%get3A_118, %get3A_119] {strides = array<i32>} : memref<160x128xi32, #tpu.memory_space<vmem>>, vector<16xi32>,
      %sub3A_121 = arith.constant 10000 : i32
      %sub3A_122 = vector.broadcast %sub3A_121 : i32 to vector<16xi32>
      %sub3A_123 = arith.subi %get3A_120, %sub3A_122 : vector<16xi32>
      tpu.vector_store_idx %arg12[%sub3A_123], %broadcast_in_dim3A_20 {add = true} : memref<10240xf32, #tpu.memory_space<vmem>>[vector<16xi32>], vector<16xf32>,
      %dma_wait3A_124 = arith.constant 0 : i32
      %dma_wait3A_125 = arith.constant 0 : i32
      %dma_wait3A_126 = tpu.memref_slice %arg8[%dma_wait3A_124, %dma_wait3A_125] : memref<160x128xi32, #tpu.memory_space<vmem>> -> memref<1x128xi32, #tpu.memory_space<vmem>>
      %dma_wait3A_127 = tpu.memref_squeeze %dma_wait3A_126 : memref<1x128xi32, #tpu.memory_space<vmem>> -> memref<128xi32, #tpu.memory_space<vmem>>
      %dma_wait3A_128 = arith.constant 0 : i32
      %dma_wait3A_129 = arith.constant 0 : i32
      %dma_wait3A_130 = tpu.memref_slice %arg13[%dma_wait3A_128, %dma_wait3A_129] : memref<20240x64xbf16, #tpu.memory_space<vmem_shared>> -> memref<20240x64xbf16, #tpu.memory_space<vmem_shared>>
      tpu.wait_indirect_dma semaphore(%arg15 : memref<!tpu.dma_semaphore, #tpu.memory_space<semaphore_mem>>) src(%dma_wait3A_130 : memref<20240x64xbf16, #tpu.memory_space<vmem_shared>>) dst(%arg11 : memref<128x64xbf16, #tpu.memory_space<vmem>>)
      %dma_wait3A_131 = arith.constant 0 : i32
      %dma_wait3A_132 = tpu.memref_slice %arg9[%mul3A_62, %dma_wait3A_131] : memref<160x128xi32, #tpu.memory_space<vmem>> -> memref<1x128xi32, #tpu.memory_space<vmem>>
      %dma_wait3A_133 = tpu.memref_squeeze %dma_wait3A_132 : memref<1x128xi32, #tpu.memory_space<vmem>> -> memref<128xi32, #tpu.memory_space<vmem>>
      %dma_wait3A_134 = arith.constant 0 : i32
      %dma_wait3A_135 = arith.constant 0 : i32
      %dma_wait3A_136 = tpu.memref_slice %arg13[%dma_wait3A_134, %dma_wait3A_135] : memref<20240x64xbf16, #tpu.memory_space<vmem_shared>> -> memref<20240x64xbf16, #tpu.memory_space<vmem_shared>>
      tpu.wait_indirect_dma semaphore(%arg16 : memref<!tpu.dma_semaphore, #tpu.memory_space<semaphore_mem>>) src(%arg10 : memref<128x64xbf16, #tpu.memory_space<vmem>>) dst(%dma_wait3A_136 : memref<20240x64xbf16, #tpu.memory_space<vmem_shared>>)
      %add3A_137 = arith.constant 2 : i32
      %add3A_138 = arith.addi %mul3A_62, %add3A_137 : i32
      %jit3A = arith.constant 160 : i32
      %eq3A = arith.constant 0 : i32
      %eq3A_139 = arith.cmpi eq, %jit3A, %eq3A : i32
      %jit3A_140 = arith.constant 1 : i32
      %select_n3A = arith.select %eq3A_139, %jit3A_140, %jit3A : i32
      %rem3A = arith.remsi %add3A_138, %select_n3A : i32
      %ne3A = arith.constant 0 : i32
      %ne3A_141 = arith.cmpi ne, %rem3A, %ne3A : i32
      %lt3A = arith.constant 0 : i32
      %lt3A_142 = arith.cmpi slt, %rem3A, %lt3A : i32
      %lt3A_143 = arith.constant 0 : i32
      %lt3A_144 = arith.cmpi slt, %select_n3A, %lt3A_143 : i32
      %ne3A_145 = arith.xori %lt3A_142, %lt3A_144 : i1
      %and3A = arith.andi %ne3A_145, %ne3A_141 : i1
      %add3A_146 = arith.addi %rem3A, %select_n3A : i32
      %select_n3A_147 = arith.select %and3A, %add3A_146, %rem3A : i32
      %dma_start3A_148 = arith.constant 0 : i32
      %dma_start3A_149 = tpu.memref_slice %arg8[%select_n3A_147, %dma_start3A_148] : memref<160x128xi32, #tpu.memory_space<vmem>> -> memref<1x128xi32, #tpu.memory_space<vmem>>
      %dma_start3A_150 = tpu.memref_squeeze %dma_start3A_149 : memref<1x128xi32, #tpu.memory_space<vmem>> -> memref<128xi32, #tpu.memory_space<vmem>>
      %dma_start3A_151 = arith.constant 0 : i32
      %dma_start3A_152 = arith.constant 0 : i32
      %dma_start3A_153 = tpu.memref_slice %arg13[%dma_start3A_151, %dma_start3A_152] : memref<20240x64xbf16, #tpu.memory_space<vmem_shared>> -> memref<20240x64xbf16, #tpu.memory_space<vmem_shared>>
      tpu.enqueue_indirect_dma source(%dma_start3A_153 : memref<20240x64xbf16, #tpu.memory_space<vmem_shared>>) target(%arg10 : memref<128x64xbf16, #tpu.memory_space<vmem>>) offsets(%dma_start3A_150 : memref<128xi32, #tpu.memory_space<vmem>>) semaphore(%arg14 : memref<!tpu.dma_semaphore, #tpu.memory_space<semaphore_mem>>)
      %dma_start3A_154 = arith.constant 0 : i32
      %dma_start3A_155 = tpu.memref_slice %arg9[%add3A_64, %dma_start3A_154] : memref<160x128xi32, #tpu.memory_space<vmem>> -> memref<1x128xi32, #tpu.memory_space<vmem>>
      %dma_start3A_156 = tpu.memref_squeeze %dma_start3A_155 : memref<1x128xi32, #tpu.memory_space<vmem>> -> memref<128xi32, #tpu.memory_space<vmem>>
      %dma_start3A_157 = arith.constant 0 : i32
      %dma_start3A_158 = arith.constant 0 : i32
      %dma_start3A_159 = tpu.memref_slice %arg13[%dma_start3A_157, %dma_start3A_158] : memref<20240x64xbf16, #tpu.memory_space<vmem_shared>> -> memref<20240x64xbf16, #tpu.memory_space<vmem_shared>>
      tpu.enqueue_indirect_dma source(%arg11 : memref<128x64xbf16, #tpu.memory_space<vmem>>) target(%dma_start3A_159 : memref<20240x64xbf16, #tpu.memory_space<vmem_shared>>) offsets(%dma_start3A_156 : memref<128xi32, #tpu.memory_space<vmem>>) semaphore(%arg17 : memref<!tpu.dma_semaphore, #tpu.memory_space<semaphore_mem>>) {add = true}
      %get3A_160 = arith.index_cast %add3A_64 : i32 to index
      %get3A_161 = arith.constant 0 : index
      %get3A_162 = tpu.vector_load %arg9[%get3A_160, %get3A_161] {strides = array<i32>} : memref<160x128xi32, #tpu.memory_space<vmem>>, vector<16xi32>,
      %sub3A_163 = arith.constant 10000 : i32
      %sub3A_164 = vector.broadcast %sub3A_163 : i32 to vector<16xi32>
      %sub3A_165 = arith.subi %get3A_162, %sub3A_164 : vector<16xi32>
      tpu.vector_store_idx %arg12[%sub3A_165], %broadcast_in_dim3A_20 {add = true} : memref<10240xf32, #tpu.memory_space<vmem>>[vector<16xi32>], vector<16xf32>,
      %get3A_166 = arith.index_cast %add3A_64 : i32 to index
      %get3A_167 = arith.constant 16 : index
      %get3A_168 = tpu.vector_load %arg9[%get3A_166, %get3A_167] {strides = array<i32>} : memref<160x128xi32, #tpu.memory_space<vmem>>, vector<16xi32>,
      %sub3A_169 = arith.constant 10000 : i32
      %sub3A_170 = vector.broadcast %sub3A_169 : i32 to vector<16xi32>
      %sub3A_171 = arith.subi %get3A_168, %sub3A_170 : vector<16xi32>
      tpu.vector_store_idx %arg12[%sub3A_171], %broadcast_in_dim3A_20 {add = true} : memref<10240xf32, #tpu.memory_space<vmem>>[vector<16xi32>], vector<16xf32>,
      %get3A_172 = arith.index_cast %add3A_64 : i32 to index
      %get3A_173 = arith.constant 32 : index
      %get3A_174 = tpu.vector_load %arg9[%get3A_172, %get3A_173] {strides = array<i32>} : memref<160x128xi32, #tpu.memory_space<vmem>>, vector<16xi32>,
      %sub3A_175 = arith.constant 10000 : i32
      %sub3A_176 = vector.broadcast %sub3A_175 : i32 to vector<16xi32>
      %sub3A_177 = arith.subi %get3A_174, %sub3A_176 : vector<16xi32>
      tpu.vector_store_idx %arg12[%sub3A_177], %broadcast_in_dim3A_20 {add = true} : memref<10240xf32, #tpu.memory_space<vmem>>[vector<16xi32>], vector<16xf32>,
      %get3A_178 = arith.index_cast %add3A_64 : i32 to index
      %get3A_179 = arith.constant 48 : index
      %get3A_180 = tpu.vector_load %arg9[%get3A_178, %get3A_179] {strides = array<i32>} : memref<160x128xi32, #tpu.memory_space<vmem>>, vector<16xi32>,
      %sub3A_181 = arith.constant 10000 : i32
      %sub3A_182 = vector.broadcast %sub3A_181 : i32 to vector<16xi32>
      %sub3A_183 = arith.subi %get3A_180, %sub3A_182 : vector<16xi32>
      tpu.vector_store_idx %arg12[%sub3A_183], %broadcast_in_dim3A_20 {add = true} : memref<10240xf32, #tpu.memory_space<vmem>>[vector<16xi32>], vector<16xf32>,
      %get3A_184 = arith.index_cast %add3A_64 : i32 to index
      %get3A_185 = arith.constant 64 : index
      %get3A_186 = tpu.vector_load %arg9[%get3A_184, %get3A_185] {strides = array<i32>} : memref<160x128xi32, #tpu.memory_space<vmem>>, vector<16xi32>,
      %sub3A_187 = arith.constant 10000 : i32
      %sub3A_188 = vector.broadcast %sub3A_187 : i32 to vector<16xi32>
      %sub3A_189 = arith.subi %get3A_186, %sub3A_188 : vector<16xi32>
      tpu.vector_store_idx %arg12[%sub3A_189], %broadcast_in_dim3A_20 {add = true} : memref<10240xf32, #tpu.memory_space<vmem>>[vector<16xi32>], vector<16xf32>,
      %get3A_190 = arith.index_cast %add3A_64 : i32 to index
      %get3A_191 = arith.constant 80 : index
      %get3A_192 = tpu.vector_load %arg9[%get3A_190, %get3A_191] {strides = array<i32>} : memref<160x128xi32, #tpu.memory_space<vmem>>, vector<16xi32>,
      %sub3A_193 = arith.constant 10000 : i32
      %sub3A_194 = vector.broadcast %sub3A_193 : i32 to vector<16xi32>
      %sub3A_195 = arith.subi %get3A_192, %sub3A_194 : vector<16xi32>
      tpu.vector_store_idx %arg12[%sub3A_195], %broadcast_in_dim3A_20 {add = true} : memref<10240xf32, #tpu.memory_space<vmem>>[vector<16xi32>], vector<16xf32>,
      %get3A_196 = arith.index_cast %add3A_64 : i32 to index
      %get3A_197 = arith.constant 96 : index
      %get3A_198 = tpu.vector_load %arg9[%get3A_196, %get3A_197] {strides = array<i32>} : memref<160x128xi32, #tpu.memory_space<vmem>>, vector<16xi32>,
      %sub3A_199 = arith.constant 10000 : i32
      %sub3A_200 = vector.broadcast %sub3A_199 : i32 to vector<16xi32>
      %sub3A_201 = arith.subi %get3A_198, %sub3A_200 : vector<16xi32>
      tpu.vector_store_idx %arg12[%sub3A_201], %broadcast_in_dim3A_20 {add = true} : memref<10240xf32, #tpu.memory_space<vmem>>[vector<16xi32>], vector<16xf32>,
      %get3A_202 = arith.index_cast %add3A_64 : i32 to index
      %get3A_203 = arith.constant 112 : index
      %get3A_204 = tpu.vector_load %arg9[%get3A_202, %get3A_203] {strides = array<i32>} : memref<160x128xi32, #tpu.memory_space<vmem>>, vector<16xi32>,
      %sub3A_205 = arith.constant 10000 : i32
      %sub3A_206 = vector.broadcast %sub3A_205 : i32 to vector<16xi32>
      %sub3A_207 = arith.subi %get3A_204, %sub3A_206 : vector<16xi32>
      tpu.vector_store_idx %arg12[%sub3A_207], %broadcast_in_dim3A_20 {add = true} : memref<10240xf32, #tpu.memory_space<vmem>>[vector<16xi32>], vector<16xf32>,
      %dma_wait3A_208 = arith.constant 0 : i32
      %dma_wait3A_209 = tpu.memref_slice %arg9[%add3A_64, %dma_wait3A_208] : memref<160x128xi32, #tpu.memory_space<vmem>> -> memref<1x128xi32, #tpu.memory_space<vmem>>
      %dma_wait3A_210 = tpu.memref_squeeze %dma_wait3A_209 : memref<1x128xi32, #tpu.memory_space<vmem>> -> memref<128xi32, #tpu.memory_space<vmem>>
      %dma_wait3A_211 = arith.constant 0 : i32
      %dma_wait3A_212 = arith.constant 0 : i32
      %dma_wait3A_213 = tpu.memref_slice %arg13[%dma_wait3A_211, %dma_wait3A_212] : memref<20240x64xbf16, #tpu.memory_space<vmem_shared>> -> memref<20240x64xbf16, #tpu.memory_space<vmem_shared>>
      tpu.wait_indirect_dma semaphore(%arg17 : memref<!tpu.dma_semaphore, #tpu.memory_space<semaphore_mem>>) src(%arg11 : memref<128x64xbf16, #tpu.memory_space<vmem>>) dst(%dma_wait3A_213 : memref<20240x64xbf16, #tpu.memory_space<vmem_shared>>)
      %add3A_214 = arith.constant 2 : i32
      %add3A_215 = arith.addi %add3A_64, %add3A_214 : i32
      %jit3A_216 = arith.constant 160 : i32
      %eq3A_217 = arith.constant 0 : i32
      %eq3A_218 = arith.cmpi eq, %jit3A_216, %eq3A_217 : i32
      %jit3A_219 = arith.constant 1 : i32
      %select_n3A_220 = arith.select %eq3A_218, %jit3A_219, %jit3A_216 : i32
      %rem3A_221 = arith.remsi %add3A_215, %select_n3A_220 : i32
      %ne3A_222 = arith.constant 0 : i32
      %ne3A_223 = arith.cmpi ne, %rem3A_221, %ne3A_222 : i32
      %lt3A_224 = arith.constant 0 : i32
      %lt3A_225 = arith.cmpi slt, %rem3A_221, %lt3A_224 : i32
      %lt3A_226 = arith.constant 0 : i32
      %lt3A_227 = arith.cmpi slt, %select_n3A_220, %lt3A_226 : i32
      %ne3A_228 = arith.xori %lt3A_225, %lt3A_227 : i1
      %and3A_229 = arith.andi %ne3A_228, %ne3A_223 : i1
      %add3A_230 = arith.addi %rem3A_221, %select_n3A_220 : i32
      %select_n3A_231 = arith.select %and3A_229, %add3A_230, %rem3A_221 : i32
      %dma_start3A_232 = arith.constant 0 : i32
      %dma_start3A_233 = tpu.memref_slice %arg8[%select_n3A_231, %dma_start3A_232] : memref<160x128xi32, #tpu.memory_space<vmem>> -> memref<1x128xi32, #tpu.memory_space<vmem>>
      %dma_start3A_234 = tpu.memref_squeeze %dma_start3A_233 : memref<1x128xi32, #tpu.memory_space<vmem>> -> memref<128xi32, #tpu.memory_space<vmem>>
      %dma_start3A_235 = arith.constant 0 : i32
      %dma_start3A_236 = arith.constant 0 : i32
      %dma_start3A_237 = tpu.memref_slice %arg13[%dma_start3A_235, %dma_start3A_236] : memref<20240x64xbf16, #tpu.memory_space<vmem_shared>> -> memref<20240x64xbf16, #tpu.memory_space<vmem_shared>>
      tpu.enqueue_indirect_dma source(%dma_start3A_237 : memref<20240x64xbf16, #tpu.memory_space<vmem_shared>>) target(%arg11 : memref<128x64xbf16, #tpu.memory_space<vmem>>) offsets(%dma_start3A_234 : memref<128xi32, #tpu.memory_space<vmem>>) semaphore(%arg15 : memref<!tpu.dma_semaphore, #tpu.memory_space<semaphore_mem>>)
    }
    %scan3A_39 = arith.constant 80 : i32
    %dma_wait3A = arith.constant 0 : i32
    %dma_wait3A_40 = arith.constant 0 : i32
    %dma_wait3A_41 = tpu.memref_slice %arg8[%dma_wait3A, %dma_wait3A_40] : memref<160x128xi32, #tpu.memory_space<vmem>> -> memref<1x128xi32, #tpu.memory_space<vmem>>
    %dma_wait3A_42 = tpu.memref_squeeze %dma_wait3A_41 : memref<1x128xi32, #tpu.memory_space<vmem>> -> memref<128xi32, #tpu.memory_space<vmem>>
    %dma_wait3A_43 = arith.constant 0 : i32
    %dma_wait3A_44 = arith.constant 0 : i32
    %dma_wait3A_45 = tpu.memref_slice %arg13[%dma_wait3A_43, %dma_wait3A_44] : memref<20240x64xbf16, #tpu.memory_space<vmem_shared>> -> memref<20240x64xbf16, #tpu.memory_space<vmem_shared>>
    tpu.wait_indirect_dma semaphore(%arg14 : memref<!tpu.dma_semaphore, #tpu.memory_space<semaphore_mem>>) src(%dma_wait3A_45 : memref<20240x64xbf16, #tpu.memory_space<vmem_shared>>) dst(%arg10 : memref<128x64xbf16, #tpu.memory_space<vmem>>)
    %dma_wait3A_46 = arith.constant 0 : i32
    %dma_wait3A_47 = arith.constant 0 : i32
    %dma_wait3A_48 = tpu.memref_slice %arg8[%dma_wait3A_46, %dma_wait3A_47] : memref<160x128xi32, #tpu.memory_space<vmem>> -> memref<1x128xi32, #tpu.memory_space<vmem>>
    %dma_wait3A_49 = tpu.memref_squeeze %dma_wait3A_48 : memref<1x128xi32, #tpu.memory_space<vmem>> -> memref<128xi32, #tpu.memory_space<vmem>>
    %dma_wait3A_50 = arith.constant 0 : i32
    %dma_wait3A_51 = arith.constant 0 : i32
    %dma_wait3A_52 = tpu.memref_slice %arg13[%dma_wait3A_50, %dma_wait3A_51] : memref<20240x64xbf16, #tpu.memory_space<vmem_shared>> -> memref<20240x64xbf16, #tpu.memory_space<vmem_shared>>
    tpu.wait_indirect_dma semaphore(%arg15 : memref<!tpu.dma_semaphore, #tpu.memory_space<semaphore_mem>>) src(%dma_wait3A_52 : memref<20240x64xbf16, #tpu.memory_space<vmem_shared>>) dst(%arg11 : memref<128x64xbf16, #tpu.memory_space<vmem>>)
    %barrier3A_53 = arith.constant 0 : index
    tpu.barrier barrier_id(%barrier3A_53)
    %mul3A_54 = arith.constant 640 : i32
    %mul3A_55 = arith.muli %arg1, %mul3A_54 : i32
    %add3A_56 = arith.constant 10000 : i32
    %add3A_57 = arith.addi %add3A_56, %mul3A_55 : i32
    %mul3A_58 = arith.constant 640 : i32
    %mul3A_59 = arith.muli %arg1, %mul3A_58 : i32
    "tpu.region"() ({
      %run_scoped3A = tpu.sem_alloc : memref<!tpu.dma_semaphore, #tpu.memory_space<semaphore_mem>>
      %dma_start3A_60 = arith.constant 0 : i32
      %dma_start3A_61 = tpu.memref_slice %arg6[%arg0, %mul3A_59, %dma_start3A_60] : memref<2x10240x64xbf16, #tpu.memory_space<hbm>> -> memref<1x640x64xbf16, #tpu.memory_space<hbm>>
      %dma_start3A_62 = tpu.memref_squeeze %dma_start3A_61 : memref<1x640x64xbf16, #tpu.memory_space<hbm>> -> memref<640x64xbf16, #tpu.memory_space<hbm>>
      %dma_start3A_63 = arith.constant 0 : i32
      %dma_start3A_64 = tpu.memref_slice %arg13[%add3A_57, %dma_start3A_63] : memref<20240x64xbf16, #tpu.memory_space<vmem_shared>> -> memref<640x64xbf16, #tpu.memory_space<vmem_shared>>
      tpu.enqueue_dma source(%dma_start3A_64 : memref<640x64xbf16, #tpu.memory_space<vmem_shared>>) target(%dma_start3A_62 : memref<640x64xbf16, #tpu.memory_space<hbm>>) target_semaphore(%run_scoped3A : memref<!tpu.dma_semaphore, #tpu.memory_space<semaphore_mem>>)
      %dma_wait3A_65 = arith.constant 0 : i32
      %dma_wait3A_66 = tpu.memref_slice %arg6[%arg0, %mul3A_59, %dma_wait3A_65] : memref<2x10240x64xbf16, #tpu.memory_space<hbm>> -> memref<1x640x64xbf16, #tpu.memory_space<hbm>>
      %dma_wait3A_67 = tpu.memref_squeeze %dma_wait3A_66 : memref<1x640x64xbf16, #tpu.memory_space<hbm>> -> memref<640x64xbf16, #tpu.memory_space<hbm>>
      %dma_wait3A_68 = arith.constant 0 : i32
      %dma_wait3A_69 = tpu.memref_slice %arg13[%add3A_57, %dma_wait3A_68] : memref<20240x64xbf16, #tpu.memory_space<vmem_shared>> -> memref<640x64xbf16, #tpu.memory_space<vmem_shared>>
      tpu.wait_dma2 semaphore(%run_scoped3A : memref<!tpu.dma_semaphore, #tpu.memory_space<semaphore_mem>>) src(%dma_wait3A_69 : memref<640x64xbf16, #tpu.memory_space<vmem_shared>>) dst(%dma_wait3A_67 : memref<640x64xbf16, #tpu.memory_space<hbm>>)
      tpu.yield
    }) : () -> ()
    "tpu.region"() ({
      %run_scoped3A = tpu.sem_alloc : memref<!tpu.dma_semaphore, #tpu.memory_space<semaphore_mem>>
      %dma_start3A_60 = arith.constant 0 : i32
      %dma_start3A_61 = tpu.memref_slice %arg7[%add3A, %dma_start3A_60] : memref<32x10240xf32, #tpu.memory_space<hbm>> -> memref<1x10240xf32, #tpu.memory_space<hbm>>
      %dma_start3A_62 = tpu.memref_squeeze %dma_start3A_61 : memref<1x10240xf32, #tpu.memory_space<hbm>> -> memref<10240xf32, #tpu.memory_space<hbm>>
      %dma_start3A_63 = arith.constant 0 : i32
      %dma_start3A_64 = tpu.memref_slice %arg7[%add3A, %dma_start3A_63] : memref<32x10240xf32, #tpu.memory_space<hbm>> -> memref<1x10240xf32, #tpu.memory_space<hbm>>
      %dma_start3A_65 = tpu.memref_squeeze %dma_start3A_64 : memref<1x10240xf32, #tpu.memory_space<hbm>> -> memref<10240xf32, #tpu.memory_space<hbm>>
      tpu.enqueue_dma source(%arg12 : memref<10240xf32, #tpu.memory_space<vmem>>) target(%dma_start3A_65 : memref<10240xf32, #tpu.memory_space<hbm>>) target_semaphore(%run_scoped3A : memref<!tpu.dma_semaphore, #tpu.memory_space<semaphore_mem>>)
      %dma_wait3A_66 = arith.constant 0 : i32
      %dma_wait3A_67 = tpu.memref_slice %arg7[%add3A, %dma_wait3A_66] : memref<32x10240xf32, #tpu.memory_space<hbm>> -> memref<1x10240xf32, #tpu.memory_space<hbm>>
      %dma_wait3A_68 = tpu.memref_squeeze %dma_wait3A_67 : memref<1x10240xf32, #tpu.memory_space<hbm>> -> memref<10240xf32, #tpu.memory_space<hbm>>
      %dma_wait3A_69 = arith.constant 0 : i32
      %dma_wait3A_70 = tpu.memref_slice %arg7[%add3A, %dma_wait3A_69] : memref<32x10240xf32, #tpu.memory_space<hbm>> -> memref<1x10240xf32, #tpu.memory_space<hbm>>
      %dma_wait3A_71 = tpu.memref_squeeze %dma_wait3A_70 : memref<1x10240xf32, #tpu.memory_space<hbm>> -> memref<10240xf32, #tpu.memory_space<hbm>>
      tpu.wait_dma2 semaphore(%run_scoped3A : memref<!tpu.dma_semaphore, #tpu.memory_space<semaphore_mem>>) src(%arg12 : memref<10240xf32, #tpu.memory_space<vmem>>) dst(%dma_wait3A_71 : memref<10240xf32, #tpu.memory_space<hbm>>)
      tpu.yield
    }) : () -> ()
    return
  }
}

#map = affine_map<(d0, d1) -> (0, 0, 0)>
#map1 = affine_map<(d0, d1) -> (0, 0)>
module attributes {stable_mosaic.version = 14 : i64} {
  func.func @_sc_agg_body(%arg0: i32, %arg1: i32, %arg2: memref<2x10000x64xbf16, #tpu.memory_space<hbm>>, %arg3: memref<2560x128xi32, #tpu.memory_space<hbm>>, %arg4: memref<2560x128xi32, #tpu.memory_space<hbm>>, %arg5: memref<640x64xbf16, #tpu.memory_space<hbm>>, %arg6: memref<2x10240x64xbf16, #tpu.memory_space<hbm>>, %arg7: memref<32x10240xf32, #tpu.memory_space<hbm>>, %arg8: memref<160x128xi32, #tpu.memory_space<vmem>>, %arg9: memref<160x128xi32, #tpu.memory_space<vmem>>, %arg10: memref<128x64xbf16, #tpu.memory_space<vmem>>, %arg11: memref<128x64xbf16, #tpu.memory_space<vmem>>, %arg12: memref<10240xf32, #tpu.memory_space<vmem>>, %arg13: memref<20240x64xbf16, #tpu.memory_space<vmem_shared>>, %arg14: memref<!tpu.dma_semaphore, #tpu.memory_space<semaphore_mem>>, %arg15: memref<!tpu.dma_semaphore, #tpu.memory_space<semaphore_mem>>, %arg16: memref<!tpu.dma_semaphore, #tpu.memory_space<semaphore_mem>>, %arg17: memref<!tpu.dma_semaphore, #tpu.memory_space<semaphore_mem>>) attributes {dimension_semantics = [#tpu.dimension_semantics<core_parallel>, #tpu.dimension_semantics<subcore_parallel>], iteration_bounds = array<i64: 2, 16>, scalar_prefetch = 0 : i64, scratch_operands = 10 : i64, tpu.core_type = #tpu.core_type<sc_vector_subcore>, window_params = [{transform_indices = #map}, {transform_indices = #map1}, {transform_indices = #map1}, {transform_indices = #map1}, {transform_indices = #map}, {transform_indices = #map1}]} {
    %mul3A = arith.constant 16 : i32
    %mul3A_0 = arith.muli %arg0, %mul3A : i32
    %add3A = arith.addi %mul3A_0, %arg1 : i32
    %mul3A_1 = arith.constant 640 : i32
    %mul3A_2 = arith.muli %arg1, %mul3A_1 : i32
    %add3A_3 = arith.constant 10000 : i32
    %add3A_4 = arith.addi %add3A_3, %mul3A_2 : i32
    "tpu.region"() ({
      %run_scoped3A = tpu.sem_alloc : memref<!tpu.dma_semaphore, #tpu.memory_space<semaphore_mem>>
      %dma_start3A_60 = arith.constant 0 : i32
      %dma_start3A_61 = tpu.memref_slice %arg13[%add3A_4, %dma_start3A_60] : memref<20240x64xbf16, #tpu.memory_space<vmem_shared>> -> memref<640x64xbf16, #tpu.memory_space<vmem_shared>>
      tpu.enqueue_dma source(%arg5 : memref<640x64xbf16, #tpu.memory_space<hbm>>) target(%dma_start3A_61 : memref<640x64xbf16, #tpu.memory_space<vmem_shared>>) target_semaphore(%run_scoped3A : memref<!tpu.dma_semaphore, #tpu.memory_space<semaphore_mem>>)
      %dma_wait3A_62 = arith.constant 0 : i32
      %dma_wait3A_63 = tpu.memref_slice %arg13[%add3A_4, %dma_wait3A_62] : memref<20240x64xbf16, #tpu.memory_space<vmem_shared>> -> memref<640x64xbf16, #tpu.memory_space<vmem_shared>>
      tpu.wait_dma2 semaphore(%run_scoped3A : memref<!tpu.dma_semaphore, #tpu.memory_space<semaphore_mem>>) src(%arg5 : memref<640x64xbf16, #tpu.memory_space<hbm>>) dst(%dma_wait3A_63 : memref<640x64xbf16, #tpu.memory_space<vmem_shared>>)
      tpu.yield
    }) : () -> ()
    %broadcast_in_dim3A = arith.constant 0.000000e+00 : f32
    %broadcast_in_dim3A_5 = vector.broadcast %broadcast_in_dim3A : f32 to vector<16xf32>
    %scan3A = arith.constant 0 : i32
    %scan3A_6 = arith.constant 0 : i32
    %scan3A_7 = arith.constant 640 : i32
    %scan3A_8 = arith.addi %scan3A_6, %scan3A_7 : i32
    %scan3A_9 = arith.constant 1 : i32
    scf.for %scan3A_60 = %scan3A_6 to %scan3A_8 step %scan3A_9  : i32 {
      %mul3A_61 = arith.constant 16 : i32
      %mul3A_62 = arith.muli %scan3A_60, %mul3A_61 : i32
      %swap3A = arith.index_cast %mul3A_62 : i32 to index
      %swap3A_63 = tpu.vector_load %arg12[%swap3A] {strides = array<i32>} : memref<10240xf32, #tpu.memory_space<vmem>>, vector<16xf32>,
      tpu.vector_store %arg12[%swap3A], %broadcast_in_dim3A_5 {strides = array<i32>} : memref<10240xf32, #tpu.memory_space<vmem>>, vector<16xf32>,
    }
    %scan3A_10 = arith.constant 640 : i32
    %mul3A_11 = arith.constant 625 : i32
    %mul3A_12 = arith.muli %arg1, %mul3A_11 : i32
    %mul3A_13 = arith.constant 625 : i32
    %mul3A_14 = arith.muli %arg1, %mul3A_13 : i32
    "tpu.region"() ({
      %run_scoped3A = tpu.sem_alloc : memref<!tpu.dma_semaphore, #tpu.memory_space<semaphore_mem>>
      %dma_start3A_60 = arith.constant 0 : i32
      %dma_start3A_61 = tpu.memref_slice %arg13[%mul3A_14, %dma_start3A_60] : memref<20240x64xbf16, #tpu.memory_space<vmem_shared>> -> memref<625x64xbf16, #tpu.memory_space<vmem_shared>>
      %dma_start3A_62 = arith.constant 0 : i32
      %dma_start3A_63 = tpu.memref_slice %arg2[%arg0, %mul3A_12, %dma_start3A_62] : memref<2x10000x64xbf16, #tpu.memory_space<hbm>> -> memref<1x625x64xbf16, #tpu.memory_space<hbm>>
      %dma_start3A_64 = tpu.memref_squeeze %dma_start3A_63 : memref<1x625x64xbf16, #tpu.memory_space<hbm>> -> memref<625x64xbf16, #tpu.memory_space<hbm>>
      tpu.enqueue_dma source(%dma_start3A_64 : memref<625x64xbf16, #tpu.memory_space<hbm>>) target(%dma_start3A_61 : memref<625x64xbf16, #tpu.memory_space<vmem_shared>>) target_semaphore(%run_scoped3A : memref<!tpu.dma_semaphore, #tpu.memory_space<semaphore_mem>>)
      %dma_wait3A_65 = arith.constant 0 : i32
      %dma_wait3A_66 = tpu.memref_slice %arg13[%mul3A_14, %dma_wait3A_65] : memref<20240x64xbf16, #tpu.memory_space<vmem_shared>> -> memref<625x64xbf16, #tpu.memory_space<vmem_shared>>
      %dma_wait3A_67 = arith.constant 0 : i32
      %dma_wait3A_68 = tpu.memref_slice %arg2[%arg0, %mul3A_12, %dma_wait3A_67] : memref<2x10000x64xbf16, #tpu.memory_space<hbm>> -> memref<1x625x64xbf16, #tpu.memory_space<hbm>>
      %dma_wait3A_69 = tpu.memref_squeeze %dma_wait3A_68 : memref<1x625x64xbf16, #tpu.memory_space<hbm>> -> memref<625x64xbf16, #tpu.memory_space<hbm>>
      tpu.wait_dma2 semaphore(%run_scoped3A : memref<!tpu.dma_semaphore, #tpu.memory_space<semaphore_mem>>) src(%dma_wait3A_69 : memref<625x64xbf16, #tpu.memory_space<hbm>>) dst(%dma_wait3A_66 : memref<625x64xbf16, #tpu.memory_space<vmem_shared>>)
      tpu.yield
    }) : () -> ()
    %mul3A_15 = arith.constant 160 : i32
    %mul3A_16 = arith.muli %arg1, %mul3A_15 : i32
    "tpu.region"() ({
      %run_scoped3A = tpu.sem_alloc : memref<!tpu.dma_semaphore, #tpu.memory_space<semaphore_mem>>
      %dma_start3A_60 = arith.constant 0 : i32
      %dma_start3A_61 = tpu.memref_slice %arg3[%mul3A_16, %dma_start3A_60] : memref<2560x128xi32, #tpu.memory_space<hbm>> -> memref<160x128xi32, #tpu.memory_space<hbm>>
      %dma_start3A_62 = arith.constant 0 : i32
      %dma_start3A_63 = tpu.memref_slice %arg3[%mul3A_16, %dma_start3A_62] : memref<2560x128xi32, #tpu.memory_space<hbm>> -> memref<160x128xi32, #tpu.memory_space<hbm>>
      tpu.enqueue_dma source(%dma_start3A_63 : memref<160x128xi32, #tpu.memory_space<hbm>>) target(%arg8 : memref<160x128xi32, #tpu.memory_space<vmem>>) target_semaphore(%run_scoped3A : memref<!tpu.dma_semaphore, #tpu.memory_space<semaphore_mem>>)
      %dma_wait3A_64 = arith.constant 0 : i32
      %dma_wait3A_65 = tpu.memref_slice %arg3[%mul3A_16, %dma_wait3A_64] : memref<2560x128xi32, #tpu.memory_space<hbm>> -> memref<160x128xi32, #tpu.memory_space<hbm>>
      %dma_wait3A_66 = arith.constant 0 : i32
      %dma_wait3A_67 = tpu.memref_slice %arg3[%mul3A_16, %dma_wait3A_66] : memref<2560x128xi32, #tpu.memory_space<hbm>> -> memref<160x128xi32, #tpu.memory_space<hbm>>
      tpu.wait_dma2 semaphore(%run_scoped3A : memref<!tpu.dma_semaphore, #tpu.memory_space<semaphore_mem>>) src(%dma_wait3A_67 : memref<160x128xi32, #tpu.memory_space<hbm>>) dst(%arg8 : memref<160x128xi32, #tpu.memory_space<vmem>>)
      tpu.yield
    }) : () -> ()
    %mul3A_17 = arith.constant 160 : i32
    %mul3A_18 = arith.muli %arg1, %mul3A_17 : i32
    "tpu.region"() ({
      %run_scoped3A = tpu.sem_alloc : memref<!tpu.dma_semaphore, #tpu.memory_space<semaphore_mem>>
      %dma_start3A_60 = arith.constant 0 : i32
      %dma_start3A_61 = tpu.memref_slice %arg4[%mul3A_18, %dma_start3A_60] : memref<2560x128xi32, #tpu.memory_space<hbm>> -> memref<160x128xi32, #tpu.memory_space<hbm>>
      %dma_start3A_62 = arith.constant 0 : i32
      %dma_start3A_63 = tpu.memref_slice %arg4[%mul3A_18, %dma_start3A_62] : memref<2560x128xi32, #tpu.memory_space<hbm>> -> memref<160x128xi32, #tpu.memory_space<hbm>>
      tpu.enqueue_dma source(%dma_start3A_63 : memref<160x128xi32, #tpu.memory_space<hbm>>) target(%arg9 : memref<160x128xi32, #tpu.memory_space<vmem>>) target_semaphore(%run_scoped3A : memref<!tpu.dma_semaphore, #tpu.memory_space<semaphore_mem>>)
      %dma_wait3A_64 = arith.constant 0 : i32
      %dma_wait3A_65 = tpu.memref_slice %arg4[%mul3A_18, %dma_wait3A_64] : memref<2560x128xi32, #tpu.memory_space<hbm>> -> memref<160x128xi32, #tpu.memory_space<hbm>>
      %dma_wait3A_66 = arith.constant 0 : i32
      %dma_wait3A_67 = tpu.memref_slice %arg4[%mul3A_18, %dma_wait3A_66] : memref<2560x128xi32, #tpu.memory_space<hbm>> -> memref<160x128xi32, #tpu.memory_space<hbm>>
      tpu.wait_dma2 semaphore(%run_scoped3A : memref<!tpu.dma_semaphore, #tpu.memory_space<semaphore_mem>>) src(%dma_wait3A_67 : memref<160x128xi32, #tpu.memory_space<hbm>>) dst(%arg9 : memref<160x128xi32, #tpu.memory_space<vmem>>)
      tpu.yield
    }) : () -> ()
    %barrier3A = arith.constant 0 : index
    tpu.barrier barrier_id(%barrier3A)
    %broadcast_in_dim3A_19 = arith.constant 1.000000e+00 : f32
    %broadcast_in_dim3A_20 = vector.broadcast %broadcast_in_dim3A_19 : f32 to vector<16xf32>
    %dma_start3A = arith.constant 0 : i32
    %dma_start3A_21 = arith.constant 0 : i32
    %dma_start3A_22 = tpu.memref_slice %arg8[%dma_start3A, %dma_start3A_21] : memref<160x128xi32, #tpu.memory_space<vmem>> -> memref<1x128xi32, #tpu.memory_space<vmem>>
    %dma_start3A_23 = tpu.memref_squeeze %dma_start3A_22 : memref<1x128xi32, #tpu.memory_space<vmem>> -> memref<128xi32, #tpu.memory_space<vmem>>
    %dma_start3A_24 = arith.constant 0 : i32
    %dma_start3A_25 = arith.constant 0 : i32
    %dma_start3A_26 = tpu.memref_slice %arg13[%dma_start3A_24, %dma_start3A_25] : memref<20240x64xbf16, #tpu.memory_space<vmem_shared>> -> memref<20240x64xbf16, #tpu.memory_space<vmem_shared>>
    tpu.enqueue_indirect_dma source(%dma_start3A_26 : memref<20240x64xbf16, #tpu.memory_space<vmem_shared>>) target(%arg10 : memref<128x64xbf16, #tpu.memory_space<vmem>>) offsets(%dma_start3A_23 : memref<128xi32, #tpu.memory_space<vmem>>) semaphore(%arg14 : memref<!tpu.dma_semaphore, #tpu.memory_space<semaphore_mem>>)
    %dma_start3A_27 = arith.constant 1 : i32
    %dma_start3A_28 = arith.constant 0 : i32
    %dma_start3A_29 = tpu.memref_slice %arg8[%dma_start3A_27, %dma_start3A_28] : memref<160x128xi32, #tpu.memory_space<vmem>> -> memref<1x128xi32, #tpu.memory_space<vmem>>
    %dma_start3A_30 = tpu.memref_squeeze %dma_start3A_29 : memref<1x128xi32, #tpu.memory_space<vmem>> -> memref<128xi32, #tpu.memory_space<vmem>>
    %dma_start3A_31 = arith.constant 0 : i32
    %dma_start3A_32 = arith.constant 0 : i32
    %dma_start3A_33 = tpu.memref_slice %arg13[%dma_start3A_31, %dma_start3A_32] : memref<20240x64xbf16, #tpu.memory_space<vmem_shared>> -> memref<20240x64xbf16, #tpu.memory_space<vmem_shared>>
    tpu.enqueue_indirect_dma source(%dma_start3A_33 : memref<20240x64xbf16, #tpu.memory_space<vmem_shared>>) target(%arg11 : memref<128x64xbf16, #tpu.memory_space<vmem>>) offsets(%dma_start3A_30 : memref<128xi32, #tpu.memory_space<vmem>>) semaphore(%arg15 : memref<!tpu.dma_semaphore, #tpu.memory_space<semaphore_mem>>)
    %scan3A_34 = arith.constant 0 : i32
    %scan3A_35 = arith.constant 0 : i32
    %scan3A_36 = arith.constant 80 : i32
    %scan3A_37 = arith.addi %scan3A_35, %scan3A_36 : i32
    %scan3A_38 = arith.constant 1 : i32
    scf.for %scan3A_60 = %scan3A_35 to %scan3A_37 step %scan3A_38  : i32 {
      %mul3A_61 = arith.constant 2 : i32
      %mul3A_62 = arith.muli %mul3A_61, %scan3A_60 : i32
      %add3A_63 = arith.constant 1 : i32
      %add3A_64 = arith.addi %mul3A_62, %add3A_63 : i32
      %dma_wait3A_65 = arith.constant 0 : i32
      %dma_wait3A_66 = arith.constant 0 : i32
      %dma_wait3A_67 = tpu.memref_slice %arg8[%dma_wait3A_65, %dma_wait3A_66] : memref<160x128xi32, #tpu.memory_space<vmem>> -> memref<1x128xi32, #tpu.memory_space<vmem>>
      %dma_wait3A_68 = tpu.memref_squeeze %dma_wait3A_67 : memref<1x128xi32, #tpu.memory_space<vmem>> -> memref<128xi32, #tpu.memory_space<vmem>>
      %dma_wait3A_69 = arith.constant 0 : i32
      %dma_wait3A_70 = arith.constant 0 : i32
      %dma_wait3A_71 = tpu.memref_slice %arg13[%dma_wait3A_69, %dma_wait3A_70] : memref<20240x64xbf16, #tpu.memory_space<vmem_shared>> -> memref<20240x64xbf16, #tpu.memory_space<vmem_shared>>
      tpu.wait_indirect_dma semaphore(%arg14 : memref<!tpu.dma_semaphore, #tpu.memory_space<semaphore_mem>>) src(%dma_wait3A_71 : memref<20240x64xbf16, #tpu.memory_space<vmem_shared>>) dst(%arg10 : memref<128x64xbf16, #tpu.memory_space<vmem>>)
      %dma_start3A_72 = arith.constant 0 : i32
      %dma_start3A_73 = tpu.memref_slice %arg9[%mul3A_62, %dma_start3A_72] : memref<160x128xi32, #tpu.memory_space<vmem>> -> memref<1x128xi32, #tpu.memory_space<vmem>>
      %dma_start3A_74 = tpu.memref_squeeze %dma_start3A_73 : memref<1x128xi32, #tpu.memory_space<vmem>> -> memref<128xi32, #tpu.memory_space<vmem>>
      %dma_start3A_75 = arith.constant 0 : i32
      %dma_start3A_76 = arith.constant 0 : i32
      %dma_start3A_77 = tpu.memref_slice %arg13[%dma_start3A_75, %dma_start3A_76] : memref<20240x64xbf16, #tpu.memory_space<vmem_shared>> -> memref<20240x64xbf16, #tpu.memory_space<vmem_shared>>
      tpu.enqueue_indirect_dma source(%arg10 : memref<128x64xbf16, #tpu.memory_space<vmem>>) target(%dma_start3A_77 : memref<20240x64xbf16, #tpu.memory_space<vmem_shared>>) offsets(%dma_start3A_74 : memref<128xi32, #tpu.memory_space<vmem>>) semaphore(%arg16 : memref<!tpu.dma_semaphore, #tpu.memory_space<semaphore_mem>>) {add = true}
      %get3A = arith.index_cast %mul3A_62 : i32 to index
      %get3A_78 = arith.constant 0 : index
      %get3A_79 = tpu.vector_load %arg9[%get3A, %get3A_78] {strides = array<i32>} : memref<160x128xi32, #tpu.memory_space<vmem>>, vector<16xi32>,
      %sub3A = arith.constant 10000 : i32
      %sub3A_80 = vector.broadcast %sub3A : i32 to vector<16xi32>
      %sub3A_81 = arith.subi %get3A_79, %sub3A_80 : vector<16xi32>
      tpu.vector_store_idx %arg12[%sub3A_81], %broadcast_in_dim3A_20 {add = true} : memref<10240xf32, #tpu.memory_space<vmem>>[vector<16xi32>], vector<16xf32>,
      %get3A_82 = arith.index_cast %mul3A_62 : i32 to index
      %get3A_83 = arith.constant 16 : index
      %get3A_84 = tpu.vector_load %arg9[%get3A_82, %get3A_83] {strides = array<i32>} : memref<160x128xi32, #tpu.memory_space<vmem>>, vector<16xi32>,
      %sub3A_85 = arith.constant 10000 : i32
      %sub3A_86 = vector.broadcast %sub3A_85 : i32 to vector<16xi32>
      %sub3A_87 = arith.subi %get3A_84, %sub3A_86 : vector<16xi32>
      tpu.vector_store_idx %arg12[%sub3A_87], %broadcast_in_dim3A_20 {add = true} : memref<10240xf32, #tpu.memory_space<vmem>>[vector<16xi32>], vector<16xf32>,
      %get3A_88 = arith.index_cast %mul3A_62 : i32 to index
      %get3A_89 = arith.constant 32 : index
      %get3A_90 = tpu.vector_load %arg9[%get3A_88, %get3A_89] {strides = array<i32>} : memref<160x128xi32, #tpu.memory_space<vmem>>, vector<16xi32>,
      %sub3A_91 = arith.constant 10000 : i32
      %sub3A_92 = vector.broadcast %sub3A_91 : i32 to vector<16xi32>
      %sub3A_93 = arith.subi %get3A_90, %sub3A_92 : vector<16xi32>
      tpu.vector_store_idx %arg12[%sub3A_93], %broadcast_in_dim3A_20 {add = true} : memref<10240xf32, #tpu.memory_space<vmem>>[vector<16xi32>], vector<16xf32>,
      %get3A_94 = arith.index_cast %mul3A_62 : i32 to index
      %get3A_95 = arith.constant 48 : index
      %get3A_96 = tpu.vector_load %arg9[%get3A_94, %get3A_95] {strides = array<i32>} : memref<160x128xi32, #tpu.memory_space<vmem>>, vector<16xi32>,
      %sub3A_97 = arith.constant 10000 : i32
      %sub3A_98 = vector.broadcast %sub3A_97 : i32 to vector<16xi32>
      %sub3A_99 = arith.subi %get3A_96, %sub3A_98 : vector<16xi32>
      tpu.vector_store_idx %arg12[%sub3A_99], %broadcast_in_dim3A_20 {add = true} : memref<10240xf32, #tpu.memory_space<vmem>>[vector<16xi32>], vector<16xf32>,
      %get3A_100 = arith.index_cast %mul3A_62 : i32 to index
      %get3A_101 = arith.constant 64 : index
      %get3A_102 = tpu.vector_load %arg9[%get3A_100, %get3A_101] {strides = array<i32>} : memref<160x128xi32, #tpu.memory_space<vmem>>, vector<16xi32>,
      %sub3A_103 = arith.constant 10000 : i32
      %sub3A_104 = vector.broadcast %sub3A_103 : i32 to vector<16xi32>
      %sub3A_105 = arith.subi %get3A_102, %sub3A_104 : vector<16xi32>
      tpu.vector_store_idx %arg12[%sub3A_105], %broadcast_in_dim3A_20 {add = true} : memref<10240xf32, #tpu.memory_space<vmem>>[vector<16xi32>], vector<16xf32>,
      %get3A_106 = arith.index_cast %mul3A_62 : i32 to index
      %get3A_107 = arith.constant 80 : index
      %get3A_108 = tpu.vector_load %arg9[%get3A_106, %get3A_107] {strides = array<i32>} : memref<160x128xi32, #tpu.memory_space<vmem>>, vector<16xi32>,
      %sub3A_109 = arith.constant 10000 : i32
      %sub3A_110 = vector.broadcast %sub3A_109 : i32 to vector<16xi32>
      %sub3A_111 = arith.subi %get3A_108, %sub3A_110 : vector<16xi32>
      tpu.vector_store_idx %arg12[%sub3A_111], %broadcast_in_dim3A_20 {add = true} : memref<10240xf32, #tpu.memory_space<vmem>>[vector<16xi32>], vector<16xf32>,
      %get3A_112 = arith.index_cast %mul3A_62 : i32 to index
      %get3A_113 = arith.constant 96 : index
      %get3A_114 = tpu.vector_load %arg9[%get3A_112, %get3A_113] {strides = array<i32>} : memref<160x128xi32, #tpu.memory_space<vmem>>, vector<16xi32>,
      %sub3A_115 = arith.constant 10000 : i32
      %sub3A_116 = vector.broadcast %sub3A_115 : i32 to vector<16xi32>
      %sub3A_117 = arith.subi %get3A_114, %sub3A_116 : vector<16xi32>
      tpu.vector_store_idx %arg12[%sub3A_117], %broadcast_in_dim3A_20 {add = true} : memref<10240xf32, #tpu.memory_space<vmem>>[vector<16xi32>], vector<16xf32>,
      %get3A_118 = arith.index_cast %mul3A_62 : i32 to index
      %get3A_119 = arith.constant 112 : index
      %get3A_120 = tpu.vector_load %arg9[%get3A_118, %get3A_119] {strides = array<i32>} : memref<160x128xi32, #tpu.memory_space<vmem>>, vector<16xi32>,
      %sub3A_121 = arith.constant 10000 : i32
      %sub3A_122 = vector.broadcast %sub3A_121 : i32 to vector<16xi32>
      %sub3A_123 = arith.subi %get3A_120, %sub3A_122 : vector<16xi32>
      tpu.vector_store_idx %arg12[%sub3A_123], %broadcast_in_dim3A_20 {add = true} : memref<10240xf32, #tpu.memory_space<vmem>>[vector<16xi32>], vector<16xf32>,
      %dma_wait3A_124 = arith.constant 0 : i32
      %dma_wait3A_125 = arith.constant 0 : i32
      %dma_wait3A_126 = tpu.memref_slice %arg8[%dma_wait3A_124, %dma_wait3A_125] : memref<160x128xi32, #tpu.memory_space<vmem>> -> memref<1x128xi32, #tpu.memory_space<vmem>>
      %dma_wait3A_127 = tpu.memref_squeeze %dma_wait3A_126 : memref<1x128xi32, #tpu.memory_space<vmem>> -> memref<128xi32, #tpu.memory_space<vmem>>
      %dma_wait3A_128 = arith.constant 0 : i32
      %dma_wait3A_129 = arith.constant 0 : i32
      %dma_wait3A_130 = tpu.memref_slice %arg13[%dma_wait3A_128, %dma_wait3A_129] : memref<20240x64xbf16, #tpu.memory_space<vmem_shared>> -> memref<20240x64xbf16, #tpu.memory_space<vmem_shared>>
      tpu.wait_indirect_dma semaphore(%arg15 : memref<!tpu.dma_semaphore, #tpu.memory_space<semaphore_mem>>) src(%dma_wait3A_130 : memref<20240x64xbf16, #tpu.memory_space<vmem_shared>>) dst(%arg11 : memref<128x64xbf16, #tpu.memory_space<vmem>>)
      %dma_wait3A_131 = arith.constant 0 : i32
      %dma_wait3A_132 = tpu.memref_slice %arg9[%mul3A_62, %dma_wait3A_131] : memref<160x128xi32, #tpu.memory_space<vmem>> -> memref<1x128xi32, #tpu.memory_space<vmem>>
      %dma_wait3A_133 = tpu.memref_squeeze %dma_wait3A_132 : memref<1x128xi32, #tpu.memory_space<vmem>> -> memref<128xi32, #tpu.memory_space<vmem>>
      %dma_wait3A_134 = arith.constant 0 : i32
      %dma_wait3A_135 = arith.constant 0 : i32
      %dma_wait3A_136 = tpu.memref_slice %arg13[%dma_wait3A_134, %dma_wait3A_135] : memref<20240x64xbf16, #tpu.memory_space<vmem_shared>> -> memref<20240x64xbf16, #tpu.memory_space<vmem_shared>>
      tpu.wait_indirect_dma semaphore(%arg16 : memref<!tpu.dma_semaphore, #tpu.memory_space<semaphore_mem>>) src(%arg10 : memref<128x64xbf16, #tpu.memory_space<vmem>>) dst(%dma_wait3A_136 : memref<20240x64xbf16, #tpu.memory_space<vmem_shared>>)
      %add3A_137 = arith.constant 2 : i32
      %add3A_138 = arith.addi %mul3A_62, %add3A_137 : i32
      %jit3A = arith.constant 160 : i32
      %eq3A = arith.constant 0 : i32
      %eq3A_139 = arith.cmpi eq, %jit3A, %eq3A : i32
      %jit3A_140 = arith.constant 1 : i32
      %select_n3A = arith.select %eq3A_139, %jit3A_140, %jit3A : i32
      %rem3A = arith.remsi %add3A_138, %select_n3A : i32
      %ne3A = arith.constant 0 : i32
      %ne3A_141 = arith.cmpi ne, %rem3A, %ne3A : i32
      %lt3A = arith.constant 0 : i32
      %lt3A_142 = arith.cmpi slt, %rem3A, %lt3A : i32
      %lt3A_143 = arith.constant 0 : i32
      %lt3A_144 = arith.cmpi slt, %select_n3A, %lt3A_143 : i32
      %ne3A_145 = arith.xori %lt3A_142, %lt3A_144 : i1
      %and3A = arith.andi %ne3A_145, %ne3A_141 : i1
      %add3A_146 = arith.addi %rem3A, %select_n3A : i32
      %select_n3A_147 = arith.select %and3A, %add3A_146, %rem3A : i32
      %dma_start3A_148 = arith.constant 0 : i32
      %dma_start3A_149 = tpu.memref_slice %arg8[%select_n3A_147, %dma_start3A_148] : memref<160x128xi32, #tpu.memory_space<vmem>> -> memref<1x128xi32, #tpu.memory_space<vmem>>
      %dma_start3A_150 = tpu.memref_squeeze %dma_start3A_149 : memref<1x128xi32, #tpu.memory_space<vmem>> -> memref<128xi32, #tpu.memory_space<vmem>>
      %dma_start3A_151 = arith.constant 0 : i32
      %dma_start3A_152 = arith.constant 0 : i32
      %dma_start3A_153 = tpu.memref_slice %arg13[%dma_start3A_151, %dma_start3A_152] : memref<20240x64xbf16, #tpu.memory_space<vmem_shared>> -> memref<20240x64xbf16, #tpu.memory_space<vmem_shared>>
      tpu.enqueue_indirect_dma source(%dma_start3A_153 : memref<20240x64xbf16, #tpu.memory_space<vmem_shared>>) target(%arg10 : memref<128x64xbf16, #tpu.memory_space<vmem>>) offsets(%dma_start3A_150 : memref<128xi32, #tpu.memory_space<vmem>>) semaphore(%arg14 : memref<!tpu.dma_semaphore, #tpu.memory_space<semaphore_mem>>)
      %dma_start3A_154 = arith.constant 0 : i32
      %dma_start3A_155 = tpu.memref_slice %arg9[%add3A_64, %dma_start3A_154] : memref<160x128xi32, #tpu.memory_space<vmem>> -> memref<1x128xi32, #tpu.memory_space<vmem>>
      %dma_start3A_156 = tpu.memref_squeeze %dma_start3A_155 : memref<1x128xi32, #tpu.memory_space<vmem>> -> memref<128xi32, #tpu.memory_space<vmem>>
      %dma_start3A_157 = arith.constant 0 : i32
      %dma_start3A_158 = arith.constant 0 : i32
      %dma_start3A_159 = tpu.memref_slice %arg13[%dma_start3A_157, %dma_start3A_158] : memref<20240x64xbf16, #tpu.memory_space<vmem_shared>> -> memref<20240x64xbf16, #tpu.memory_space<vmem_shared>>
      tpu.enqueue_indirect_dma source(%arg11 : memref<128x64xbf16, #tpu.memory_space<vmem>>) target(%dma_start3A_159 : memref<20240x64xbf16, #tpu.memory_space<vmem_shared>>) offsets(%dma_start3A_156 : memref<128xi32, #tpu.memory_space<vmem>>) semaphore(%arg17 : memref<!tpu.dma_semaphore, #tpu.memory_space<semaphore_mem>>) {add = true}
      %get3A_160 = arith.index_cast %add3A_64 : i32 to index
      %get3A_161 = arith.constant 0 : index
      %get3A_162 = tpu.vector_load %arg9[%get3A_160, %get3A_161] {strides = array<i32>} : memref<160x128xi32, #tpu.memory_space<vmem>>, vector<16xi32>,
      %sub3A_163 = arith.constant 10000 : i32
      %sub3A_164 = vector.broadcast %sub3A_163 : i32 to vector<16xi32>
      %sub3A_165 = arith.subi %get3A_162, %sub3A_164 : vector<16xi32>
      tpu.vector_store_idx %arg12[%sub3A_165], %broadcast_in_dim3A_20 {add = true} : memref<10240xf32, #tpu.memory_space<vmem>>[vector<16xi32>], vector<16xf32>,
      %get3A_166 = arith.index_cast %add3A_64 : i32 to index
      %get3A_167 = arith.constant 16 : index
      %get3A_168 = tpu.vector_load %arg9[%get3A_166, %get3A_167] {strides = array<i32>} : memref<160x128xi32, #tpu.memory_space<vmem>>, vector<16xi32>,
      %sub3A_169 = arith.constant 10000 : i32
      %sub3A_170 = vector.broadcast %sub3A_169 : i32 to vector<16xi32>
      %sub3A_171 = arith.subi %get3A_168, %sub3A_170 : vector<16xi32>
      tpu.vector_store_idx %arg12[%sub3A_171], %broadcast_in_dim3A_20 {add = true} : memref<10240xf32, #tpu.memory_space<vmem>>[vector<16xi32>], vector<16xf32>,
      %get3A_172 = arith.index_cast %add3A_64 : i32 to index
      %get3A_173 = arith.constant 32 : index
      %get3A_174 = tpu.vector_load %arg9[%get3A_172, %get3A_173] {strides = array<i32>} : memref<160x128xi32, #tpu.memory_space<vmem>>, vector<16xi32>,
      %sub3A_175 = arith.constant 10000 : i32
      %sub3A_176 = vector.broadcast %sub3A_175 : i32 to vector<16xi32>
      %sub3A_177 = arith.subi %get3A_174, %sub3A_176 : vector<16xi32>
      tpu.vector_store_idx %arg12[%sub3A_177], %broadcast_in_dim3A_20 {add = true} : memref<10240xf32, #tpu.memory_space<vmem>>[vector<16xi32>], vector<16xf32>,
      %get3A_178 = arith.index_cast %add3A_64 : i32 to index
      %get3A_179 = arith.constant 48 : index
      %get3A_180 = tpu.vector_load %arg9[%get3A_178, %get3A_179] {strides = array<i32>} : memref<160x128xi32, #tpu.memory_space<vmem>>, vector<16xi32>,
      %sub3A_181 = arith.constant 10000 : i32
      %sub3A_182 = vector.broadcast %sub3A_181 : i32 to vector<16xi32>
      %sub3A_183 = arith.subi %get3A_180, %sub3A_182 : vector<16xi32>
      tpu.vector_store_idx %arg12[%sub3A_183], %broadcast_in_dim3A_20 {add = true} : memref<10240xf32, #tpu.memory_space<vmem>>[vector<16xi32>], vector<16xf32>,
      %get3A_184 = arith.index_cast %add3A_64 : i32 to index
      %get3A_185 = arith.constant 64 : index
      %get3A_186 = tpu.vector_load %arg9[%get3A_184, %get3A_185] {strides = array<i32>} : memref<160x128xi32, #tpu.memory_space<vmem>>, vector<16xi32>,
      %sub3A_187 = arith.constant 10000 : i32
      %sub3A_188 = vector.broadcast %sub3A_187 : i32 to vector<16xi32>
      %sub3A_189 = arith.subi %get3A_186, %sub3A_188 : vector<16xi32>
      tpu.vector_store_idx %arg12[%sub3A_189], %broadcast_in_dim3A_20 {add = true} : memref<10240xf32, #tpu.memory_space<vmem>>[vector<16xi32>], vector<16xf32>,
      %get3A_190 = arith.index_cast %add3A_64 : i32 to index
      %get3A_191 = arith.constant 80 : index
      %get3A_192 = tpu.vector_load %arg9[%get3A_190, %get3A_191] {strides = array<i32>} : memref<160x128xi32, #tpu.memory_space<vmem>>, vector<16xi32>,
      %sub3A_193 = arith.constant 10000 : i32
      %sub3A_194 = vector.broadcast %sub3A_193 : i32 to vector<16xi32>
      %sub3A_195 = arith.subi %get3A_192, %sub3A_194 : vector<16xi32>
      tpu.vector_store_idx %arg12[%sub3A_195], %broadcast_in_dim3A_20 {add = true} : memref<10240xf32, #tpu.memory_space<vmem>>[vector<16xi32>], vector<16xf32>,
      %get3A_196 = arith.index_cast %add3A_64 : i32 to index
      %get3A_197 = arith.constant 96 : index
      %get3A_198 = tpu.vector_load %arg9[%get3A_196, %get3A_197] {strides = array<i32>} : memref<160x128xi32, #tpu.memory_space<vmem>>, vector<16xi32>,
      %sub3A_199 = arith.constant 10000 : i32
      %sub3A_200 = vector.broadcast %sub3A_199 : i32 to vector<16xi32>
      %sub3A_201 = arith.subi %get3A_198, %sub3A_200 : vector<16xi32>
      tpu.vector_store_idx %arg12[%sub3A_201], %broadcast_in_dim3A_20 {add = true} : memref<10240xf32, #tpu.memory_space<vmem>>[vector<16xi32>], vector<16xf32>,
      %get3A_202 = arith.index_cast %add3A_64 : i32 to index
      %get3A_203 = arith.constant 112 : index
      %get3A_204 = tpu.vector_load %arg9[%get3A_202, %get3A_203] {strides = array<i32>} : memref<160x128xi32, #tpu.memory_space<vmem>>, vector<16xi32>,
      %sub3A_205 = arith.constant 10000 : i32
      %sub3A_206 = vector.broadcast %sub3A_205 : i32 to vector<16xi32>
      %sub3A_207 = arith.subi %get3A_204, %sub3A_206 : vector<16xi32>
      tpu.vector_store_idx %arg12[%sub3A_207], %broadcast_in_dim3A_20 {add = true} : memref<10240xf32, #tpu.memory_space<vmem>>[vector<16xi32>], vector<16xf32>,
      %dma_wait3A_208 = arith.constant 0 : i32
      %dma_wait3A_209 = tpu.memref_slice %arg9[%add3A_64, %dma_wait3A_208] : memref<160x128xi32, #tpu.memory_space<vmem>> -> memref<1x128xi32, #tpu.memory_space<vmem>>
      %dma_wait3A_210 = tpu.memref_squeeze %dma_wait3A_209 : memref<1x128xi32, #tpu.memory_space<vmem>> -> memref<128xi32, #tpu.memory_space<vmem>>
      %dma_wait3A_211 = arith.constant 0 : i32
      %dma_wait3A_212 = arith.constant 0 : i32
      %dma_wait3A_213 = tpu.memref_slice %arg13[%dma_wait3A_211, %dma_wait3A_212] : memref<20240x64xbf16, #tpu.memory_space<vmem_shared>> -> memref<20240x64xbf16, #tpu.memory_space<vmem_shared>>
      tpu.wait_indirect_dma semaphore(%arg17 : memref<!tpu.dma_semaphore, #tpu.memory_space<semaphore_mem>>) src(%arg11 : memref<128x64xbf16, #tpu.memory_space<vmem>>) dst(%dma_wait3A_213 : memref<20240x64xbf16, #tpu.memory_space<vmem_shared>>)
      %add3A_214 = arith.constant 2 : i32
      %add3A_215 = arith.addi %add3A_64, %add3A_214 : i32
      %jit3A_216 = arith.constant 160 : i32
      %eq3A_217 = arith.constant 0 : i32
      %eq3A_218 = arith.cmpi eq, %jit3A_216, %eq3A_217 : i32
      %jit3A_219 = arith.constant 1 : i32
      %select_n3A_220 = arith.select %eq3A_218, %jit3A_219, %jit3A_216 : i32
      %rem3A_221 = arith.remsi %add3A_215, %select_n3A_220 : i32
      %ne3A_222 = arith.constant 0 : i32
      %ne3A_223 = arith.cmpi ne, %rem3A_221, %ne3A_222 : i32
      %lt3A_224 = arith.constant 0 : i32
      %lt3A_225 = arith.cmpi slt, %rem3A_221, %lt3A_224 : i32
      %lt3A_226 = arith.constant 0 : i32
      %lt3A_227 = arith.cmpi slt, %select_n3A_220, %lt3A_226 : i32
      %ne3A_228 = arith.xori %lt3A_225, %lt3A_227 : i1
      %and3A_229 = arith.andi %ne3A_228, %ne3A_223 : i1
      %add3A_230 = arith.addi %rem3A_221, %select_n3A_220 : i32
      %select_n3A_231 = arith.select %and3A_229, %add3A_230, %rem3A_221 : i32
      %dma_start3A_232 = arith.constant 0 : i32
      %dma_start3A_233 = tpu.memref_slice %arg8[%select_n3A_231, %dma_start3A_232] : memref<160x128xi32, #tpu.memory_space<vmem>> -> memref<1x128xi32, #tpu.memory_space<vmem>>
      %dma_start3A_234 = tpu.memref_squeeze %dma_start3A_233 : memref<1x128xi32, #tpu.memory_space<vmem>> -> memref<128xi32, #tpu.memory_space<vmem>>
      %dma_start3A_235 = arith.constant 0 : i32
      %dma_start3A_236 = arith.constant 0 : i32
      %dma_start3A_237 = tpu.memref_slice %arg13[%dma_start3A_235, %dma_start3A_236] : memref<20240x64xbf16, #tpu.memory_space<vmem_shared>> -> memref<20240x64xbf16, #tpu.memory_space<vmem_shared>>
      tpu.enqueue_indirect_dma source(%dma_start3A_237 : memref<20240x64xbf16, #tpu.memory_space<vmem_shared>>) target(%arg11 : memref<128x64xbf16, #tpu.memory_space<vmem>>) offsets(%dma_start3A_234 : memref<128xi32, #tpu.memory_space<vmem>>) semaphore(%arg15 : memref<!tpu.dma_semaphore, #tpu.memory_space<semaphore_mem>>)
    }
    %scan3A_39 = arith.constant 80 : i32
    %dma_wait3A = arith.constant 0 : i32
    %dma_wait3A_40 = arith.constant 0 : i32
    %dma_wait3A_41 = tpu.memref_slice %arg8[%dma_wait3A, %dma_wait3A_40] : memref<160x128xi32, #tpu.memory_space<vmem>> -> memref<1x128xi32, #tpu.memory_space<vmem>>
    %dma_wait3A_42 = tpu.memref_squeeze %dma_wait3A_41 : memref<1x128xi32, #tpu.memory_space<vmem>> -> memref<128xi32, #tpu.memory_space<vmem>>
    %dma_wait3A_43 = arith.constant 0 : i32
    %dma_wait3A_44 = arith.constant 0 : i32
    %dma_wait3A_45 = tpu.memref_slice %arg13[%dma_wait3A_43, %dma_wait3A_44] : memref<20240x64xbf16, #tpu.memory_space<vmem_shared>> -> memref<20240x64xbf16, #tpu.memory_space<vmem_shared>>
    tpu.wait_indirect_dma semaphore(%arg14 : memref<!tpu.dma_semaphore, #tpu.memory_space<semaphore_mem>>) src(%dma_wait3A_45 : memref<20240x64xbf16, #tpu.memory_space<vmem_shared>>) dst(%arg10 : memref<128x64xbf16, #tpu.memory_space<vmem>>)
    %dma_wait3A_46 = arith.constant 0 : i32
    %dma_wait3A_47 = arith.constant 0 : i32
    %dma_wait3A_48 = tpu.memref_slice %arg8[%dma_wait3A_46, %dma_wait3A_47] : memref<160x128xi32, #tpu.memory_space<vmem>> -> memref<1x128xi32, #tpu.memory_space<vmem>>
    %dma_wait3A_49 = tpu.memref_squeeze %dma_wait3A_48 : memref<1x128xi32, #tpu.memory_space<vmem>> -> memref<128xi32, #tpu.memory_space<vmem>>
    %dma_wait3A_50 = arith.constant 0 : i32
    %dma_wait3A_51 = arith.constant 0 : i32
    %dma_wait3A_52 = tpu.memref_slice %arg13[%dma_wait3A_50, %dma_wait3A_51] : memref<20240x64xbf16, #tpu.memory_space<vmem_shared>> -> memref<20240x64xbf16, #tpu.memory_space<vmem_shared>>
    tpu.wait_indirect_dma semaphore(%arg15 : memref<!tpu.dma_semaphore, #tpu.memory_space<semaphore_mem>>) src(%dma_wait3A_52 : memref<20240x64xbf16, #tpu.memory_space<vmem_shared>>) dst(%arg11 : memref<128x64xbf16, #tpu.memory_space<vmem>>)
    %barrier3A_53 = arith.constant 0 : index
    tpu.barrier barrier_id(%barrier3A_53)
    %mul3A_54 = arith.constant 640 : i32
    %mul3A_55 = arith.muli %arg1, %mul3A_54 : i32
    %add3A_56 = arith.constant 10000 : i32
    %add3A_57 = arith.addi %add3A_56, %mul3A_55 : i32
    %mul3A_58 = arith.constant 640 : i32
    %mul3A_59 = arith.muli %arg1, %mul3A_58 : i32
    "tpu.region"() ({
      %run_scoped3A = tpu.sem_alloc : memref<!tpu.dma_semaphore, #tpu.memory_space<semaphore_mem>>
      %dma_start3A_60 = arith.constant 0 : i32
      %dma_start3A_61 = tpu.memref_slice %arg6[%arg0, %mul3A_59, %dma_start3A_60] : memref<2x10240x64xbf16, #tpu.memory_space<hbm>> -> memref<1x640x64xbf16, #tpu.memory_space<hbm>>
      %dma_start3A_62 = tpu.memref_squeeze %dma_start3A_61 : memref<1x640x64xbf16, #tpu.memory_space<hbm>> -> memref<640x64xbf16, #tpu.memory_space<hbm>>
      %dma_start3A_63 = arith.constant 0 : i32
      %dma_start3A_64 = tpu.memref_slice %arg13[%add3A_57, %dma_start3A_63] : memref<20240x64xbf16, #tpu.memory_space<vmem_shared>> -> memref<640x64xbf16, #tpu.memory_space<vmem_shared>>
      tpu.enqueue_dma source(%dma_start3A_64 : memref<640x64xbf16, #tpu.memory_space<vmem_shared>>) target(%dma_start3A_62 : memref<640x64xbf16, #tpu.memory_space<hbm>>) target_semaphore(%run_scoped3A : memref<!tpu.dma_semaphore, #tpu.memory_space<semaphore_mem>>)
      %dma_wait3A_65 = arith.constant 0 : i32
      %dma_wait3A_66 = tpu.memref_slice %arg6[%arg0, %mul3A_59, %dma_wait3A_65] : memref<2x10240x64xbf16, #tpu.memory_space<hbm>> -> memref<1x640x64xbf16, #tpu.memory_space<hbm>>
      %dma_wait3A_67 = tpu.memref_squeeze %dma_wait3A_66 : memref<1x640x64xbf16, #tpu.memory_space<hbm>> -> memref<640x64xbf16, #tpu.memory_space<hbm>>
      %dma_wait3A_68 = arith.constant 0 : i32
      %dma_wait3A_69 = tpu.memref_slice %arg13[%add3A_57, %dma_wait3A_68] : memref<20240x64xbf16, #tpu.memory_space<vmem_shared>> -> memref<640x64xbf16, #tpu.memory_space<vmem_shared>>
      tpu.wait_dma2 semaphore(%run_scoped3A : memref<!tpu.dma_semaphore, #tpu.memory_space<semaphore_mem>>) src(%dma_wait3A_69 : memref<640x64xbf16, #tpu.memory_space<vmem_shared>>) dst(%dma_wait3A_67 : memref<640x64xbf16, #tpu.memory_space<hbm>>)
      tpu.yield
    }) : () -> ()
    "tpu.region"() ({
      %run_scoped3A = tpu.sem_alloc : memref<!tpu.dma_semaphore, #tpu.memory_space<semaphore_mem>>
      %dma_start3A_60 = arith.constant 0 : i32
      %dma_start3A_61 = tpu.memref_slice %arg7[%add3A, %dma_start3A_60] : memref<32x10240xf32, #tpu.memory_space<hbm>> -> memref<1x10240xf32, #tpu.memory_space<hbm>>
      %dma_start3A_62 = tpu.memref_squeeze %dma_start3A_61 : memref<1x10240xf32, #tpu.memory_space<hbm>> -> memref<10240xf32, #tpu.memory_space<hbm>>
      %dma_start3A_63 = arith.constant 0 : i32
      %dma_start3A_64 = tpu.memref_slice %arg7[%add3A, %dma_start3A_63] : memref<32x10240xf32, #tpu.memory_space<hbm>> -> memref<1x10240xf32, #tpu.memory_space<hbm>>
      %dma_start3A_65 = tpu.memref_squeeze %dma_start3A_64 : memref<1x10240xf32, #tpu.memory_space<hbm>> -> memref<10240xf32, #tpu.memory_space<hbm>>
      tpu.enqueue_dma source(%arg12 : memref<10240xf32, #tpu.memory_space<vmem>>) target(%dma_start3A_65 : memref<10240xf32, #tpu.memory_space<hbm>>) target_semaphore(%run_scoped3A : memref<!tpu.dma_semaphore, #tpu.memory_space<semaphore_mem>>)
      %dma_wait3A_66 = arith.constant 0 : i32
      %dma_wait3A_67 = tpu.memref_slice %arg7[%add3A, %dma_wait3A_66] : memref<32x10240xf32, #tpu.memory_space<hbm>> -> memref<1x10240xf32, #tpu.memory_space<hbm>>
      %dma_wait3A_68 = tpu.memref_squeeze %dma_wait3A_67 : memref<1x10240xf32, #tpu.memory_space<hbm>> -> memref<10240xf32, #tpu.memory_space<hbm>>
      %dma_wait3A_69 = arith.constant 0 : i32
      %dma_wait3A_70 = tpu.memref_slice %arg7[%add3A, %dma_wait3A_69] : memref<32x10240xf32, #tpu.memory_space<hbm>> -> memref<1x10240xf32, #tpu.memory_space<hbm>>
      %dma_wait3A_71 = tpu.memref_squeeze %dma_wait3A_70 : memref<1x10240xf32, #tpu.memory_space<hbm>> -> memref<10240xf32, #tpu.memory_space<hbm>>
      tpu.wait_dma2 semaphore(%run_scoped3A : memref<!tpu.dma_semaphore, #tpu.memory_space<semaphore_mem>>) src(%arg12 : memref<10240xf32, #tpu.memory_space<vmem>>) dst(%dma_wait3A_71 : memref<10240xf32, #tpu.memory_space<hbm>>)
      tpu.yield
    }) : () -> ()
    return
  }
}

module attributes {stable_mosaic.version = 14 : i64} {
  func.func @_mm_body(%arg0: i32, %arg1: i32, %arg2: memref<1000x128xf32, #tpu.memory_space<vmem>>, %arg3: memref<128x128xf32, #tpu.memory_space<vmem>>, %arg4: memref<1x1000x64xbf16, #tpu.memory_space<vmem>>) attributes {dimension_semantics = [#tpu.dimension_semantics<arbitrary>, #tpu.dimension_semantics<arbitrary>], iteration_bounds = array<i64: 2, 10>, scalar_prefetch = 0 : i64, scratch_operands = 0 : i64, tpu.core_type = #tpu.core_type<tc>, window_params = [{transform_indices = @transform_0, window_bounds = array<i64: 1000, 128>}, {pipeline_mode = #tpu.pipeline_mode<synchronous>, transform_indices = @transform_1, window_bounds = array<i64: 128, 128>}, {transform_indices = @transform_2, window_bounds = array<i64: 1, 1000, 64>}]} {
    %get3A = arith.constant 0 : index
    %get3A_0 = arith.constant 0 : index
    %get3A_1 = vector.load %arg2[%get3A, %get3A_0] : memref<1000x128xf32, #tpu.memory_space<vmem>>, vector<1000x128xf32>
    %get3A_2 = arith.constant 0 : index
    %get3A_3 = arith.constant 0 : index
    %get3A_4 = vector.load %arg3[%get3A_2, %get3A_3] : memref<128x128xf32, #tpu.memory_space<vmem>>, vector<128x128xf32>
    %dot_general3A = arith.constant dense<0.000000e+00> : vector<1000x128xf32>
    %dot_general3A_5 = tpu.matmul %get3A_1, %get3A_4, %dot_general3A {dimension_numbers = #tpu.dot_dimension_numbers<[1], [1], [0], [0], [0, 0, 1, 0], [], []>, transpose_lhs_hint = false} : vector<1000x128xf32>, vector<128x128xf32>, vector<1000x128xf32> -> vector<1000x128xf32>
    %eq3A = arith.constant 0 : i32
    %eq3A_6 = arith.cmpi eq, %arg0, %eq3A : i32
    %slice3A = vector.extract_strided_slice %dot_general3A_5 {offsets = [0, 0], sizes = [1000, 64], strides = [1, 1]} : vector<1000x128xf32> to vector<1000x64xf32>
    %slice3A_7 = vector.extract_strided_slice %dot_general3A_5 {offsets = [0, 64], sizes = [1000, 64], strides = [1, 1]} : vector<1000x128xf32> to vector<1000x64xf32>
    %select_n3A = arith.select %eq3A_6, %slice3A, %slice3A_7 : vector<1000x64xf32>
    %convert_element_type3A = arith.truncf %select_n3A : vector<1000x64xf32> to vector<1000x64xbf16>
    %broadcast_in_dim3A = vector.shape_cast %convert_element_type3A : vector<1000x64xbf16> to vector<1x1000x64xbf16>
    %swap3A = arith.constant 0 : index
    %swap3A_8 = arith.constant 0 : index
    %swap3A_9 = arith.constant 0 : index
    %swap3A_10 = vector.load %arg4[%swap3A, %swap3A_8, %swap3A_9] : memref<1x1000x64xbf16, #tpu.memory_space<vmem>>, vector<1x1000x64xbf16>
    tpu.vector_store %arg4[%swap3A, %swap3A_8, %swap3A_9], %broadcast_in_dim3A {strides = array<i32>} : memref<1x1000x64xbf16, #tpu.memory_space<vmem>>, vector<1x1000x64xbf16>,
    return
  }
  func.func @transform_0(%arg0: i32, %arg1: i32) -> (i32, i32) {
    %c0_i32 = arith.constant 0 : i32
    %c0_i32_0 = arith.constant 0 : i32
    return %arg1, %c0_i32 : i32, i32
  }
  func.func @transform_1(%arg0: i32, %arg1: i32) -> (i32, i32) {
    %c0_i32 = arith.constant 0 : i32
    %c0_i32_0 = arith.constant 0 : i32
    %c0_i32_1 = arith.constant 0 : i32
    return %c0_i32, %c0_i32_0 : i32, i32
  }
  func.func @transform_2(%arg0: i32, %arg1: i32) -> (i32, i32, i32) {
    %c0_i32 = arith.constant 0 : i32
    %c0_i32_0 = arith.constant 0 : i32
    return %arg0, %arg1, %c0_i32 : i32, i32, i32
  }
}

module attributes {stable_mosaic.version = 14 : i64} {
  func.func @_inv_cnt_body(%arg0: memref<32x10240xf32, #tpu.memory_space<vmem>>, %arg1: memref<10240x1xf32, #tpu.memory_space<vmem>>) attributes {dimension_semantics = [], scalar_prefetch = 0 : i64, scratch_operands = 0 : i64, tpu.core_type = #tpu.core_type<tc>} {
    %get3A = arith.constant 0 : index
    %get3A_0 = arith.constant 0 : index
    %get3A_1 = vector.load %arg0[%get3A, %get3A_0] : memref<32x10240xf32, #tpu.memory_space<vmem>>, vector<32x10240xf32>
    %reduce_sum3A = arith.constant dense<0.000000e+00> : vector<10240xf32>
    %reduce_sum3A_2 = vector.multi_reduction <add>, %get3A_1, %reduce_sum3A [0] : vector<32x10240xf32> to vector<10240xf32>
    %max3A = arith.constant 2.000000e+00 : f32
    %max3A_3 = vector.broadcast %max3A : f32 to vector<10240xf32>
    %max3A_4 = arith.maximumf %reduce_sum3A_2, %max3A_3 : vector<10240xf32>
    %div3A = arith.constant 2.000000e+00 : f32
    %div3A_5 = vector.broadcast %div3A : f32 to vector<10240xf32>
    %div3A_6 = arith.divf %div3A_5, %max3A_4 : vector<10240xf32>
    %broadcast_in_dim3A = vector.shape_cast %div3A_6 : vector<10240xf32> to vector<10240x1xf32>
    %swap3A = arith.constant 0 : index
    %swap3A_7 = arith.constant 0 : index
    %swap3A_8 = vector.load %arg1[%swap3A, %swap3A_7] : memref<10240x1xf32, #tpu.memory_space<vmem>>, vector<10240x1xf32>
    tpu.vector_store %arg1[%swap3A, %swap3A_7], %broadcast_in_dim3A {strides = array<i32>} : memref<10240x1xf32, #tpu.memory_space<vmem>>, vector<10240x1xf32>,
    return
  }
}

module attributes {stable_mosaic.version = 14 : i64} {
  func.func @_combine1_body(%arg0: i32, %arg1: i32, %arg2: memref<1000x64xbf16, #tpu.memory_space<vmem>>, %arg3: memref<1000x64xbf16, #tpu.memory_space<vmem>>, %arg4: memref<1000x1xf32, #tpu.memory_space<vmem>>, %arg5: memref<1000x128xf32, #tpu.memory_space<vmem>>, %arg6: memref<128x128xf32, #tpu.memory_space<vmem>>, %arg7: memref<1x128xf32, #tpu.memory_space<vmem>>, %arg8: memref<128x128xf32, #tpu.memory_space<vmem>>, %arg9: memref<1000x128xf32, #tpu.memory_space<vmem>>, %arg10: memref<1x1000x64xbf16, #tpu.memory_space<vmem>>) attributes {dimension_semantics = [#tpu.dimension_semantics<arbitrary>, #tpu.dimension_semantics<arbitrary>], iteration_bounds = array<i64: 2, 10>, scalar_prefetch = 0 : i64, scratch_operands = 0 : i64, tpu.core_type = #tpu.core_type<tc>, window_params = [{transform_indices = @transform_0, window_bounds = array<i64: 1000, 64>}, {transform_indices = @transform_1, window_bounds = array<i64: 1000, 64>}, {transform_indices = @transform_2, window_bounds = array<i64: 1000, 1>}, {transform_indices = @transform_3, window_bounds = array<i64: 1000, 128>}, {pipeline_mode = #tpu.pipeline_mode<synchronous>, transform_indices = @transform_4, window_bounds = array<i64: 128, 128>}, {pipeline_mode = #tpu.pipeline_mode<synchronous>, transform_indices = @transform_5, window_bounds = array<i64: 1, 128>}, {pipeline_mode = #tpu.pipeline_mode<synchronous>, transform_indices = @transform_6, window_bounds = array<i64: 128, 128>}, {transform_indices = @transform_7, window_bounds = array<i64: 1000, 128>}, {transform_indices = @transform_8, window_bounds = array<i64: 1, 1000, 64>}]} {
    %get3A = arith.constant 0 : index
    %get3A_0 = arith.constant 0 : index
    %get3A_1 = vector.load %arg2[%get3A, %get3A_0] : memref<1000x64xbf16, #tpu.memory_space<vmem>>, vector<1000x64xbf16>
    %get3A_2 = arith.constant 0 : index
    %get3A_3 = arith.constant 0 : index
    %get3A_4 = vector.load %arg3[%get3A_2, %get3A_3] : memref<1000x64xbf16, #tpu.memory_space<vmem>>, vector<1000x64xbf16>
    %concatenate3A = tpu.concatenate %get3A_1, %get3A_4 in 1 : vector<1000x64xbf16>, vector<1000x64xbf16> -> vector<1000x128xbf16>
    %convert_element_type3A = arith.extf %concatenate3A : vector<1000x128xbf16> to vector<1000x128xf32>
    %get3A_5 = arith.constant 0 : index
    %get3A_6 = arith.constant 0 : index
    %get3A_7 = vector.load %arg4[%get3A_5, %get3A_6] : memref<1000x1xf32, #tpu.memory_space<vmem>>, vector<1000x1xf32>
    %mul3A = vector.broadcast %get3A_7 : vector<1000x1xf32> to vector<1000x128xf32>
    %mul3A_8 = arith.mulf %convert_element_type3A, %mul3A : vector<1000x128xf32>
    %get3A_9 = arith.constant 0 : index
    %get3A_10 = arith.constant 0 : index
    %get3A_11 = vector.load %arg5[%get3A_9, %get3A_10] : memref<1000x128xf32, #tpu.memory_space<vmem>>, vector<1000x128xf32>
    %get3A_12 = arith.constant 0 : index
    %get3A_13 = arith.constant 0 : index
    %get3A_14 = vector.load %arg6[%get3A_12, %get3A_13] : memref<128x128xf32, #tpu.memory_space<vmem>>, vector<128x128xf32>
    %dot_general3A = arith.constant dense<0.000000e+00> : vector<1000x128xf32>
    %dot_general3A_15 = tpu.matmul %get3A_11, %get3A_14, %dot_general3A {dimension_numbers = #tpu.dot_dimension_numbers<[1], [1], [0], [0], [0, 0, 1, 0], [], []>, transpose_lhs_hint = false} : vector<1000x128xf32>, vector<128x128xf32>, vector<1000x128xf32> -> vector<1000x128xf32>
    %get3A_16 = arith.constant 0 : index
    %get3A_17 = arith.constant 0 : index
    %get3A_18 = vector.load %arg7[%get3A_16, %get3A_17] : memref<1x128xf32, #tpu.memory_space<vmem>>, vector<1x128xf32>
    %add3A = vector.broadcast %get3A_18 : vector<1x128xf32> to vector<1000x128xf32>
    %add3A_19 = arith.addf %mul3A_8, %add3A : vector<1000x128xf32>
    %add3A_20 = arith.addf %add3A_19, %dot_general3A_15 : vector<1000x128xf32>
    %max3A = arith.constant 0.000000e+00 : f32
    %max3A_21 = vector.broadcast %max3A : f32 to vector<1000x128xf32>
    %max3A_22 = arith.maximumf %add3A_20, %max3A_21 : vector<1000x128xf32>
    %swap3A = arith.constant 0 : index
    %swap3A_23 = arith.constant 0 : index
    %swap3A_24 = vector.load %arg9[%swap3A, %swap3A_23] : memref<1000x128xf32, #tpu.memory_space<vmem>>, vector<1000x128xf32>
    tpu.vector_store %arg9[%swap3A, %swap3A_23], %max3A_22 {strides = array<i32>} : memref<1000x128xf32, #tpu.memory_space<vmem>>, vector<1000x128xf32>,
    %get3A_25 = arith.constant 0 : index
    %get3A_26 = arith.constant 0 : index
    %get3A_27 = vector.load %arg8[%get3A_25, %get3A_26] : memref<128x128xf32, #tpu.memory_space<vmem>>, vector<128x128xf32>
    %dot_general3A_28 = arith.constant dense<0.000000e+00> : vector<1000x128xf32>
    %dot_general3A_29 = tpu.matmul %max3A_22, %get3A_27, %dot_general3A_28 {dimension_numbers = #tpu.dot_dimension_numbers<[1], [1], [0], [0], [0, 0, 1, 0], [], []>, transpose_lhs_hint = false} : vector<1000x128xf32>, vector<128x128xf32>, vector<1000x128xf32> -> vector<1000x128xf32>
    %eq3A = arith.constant 0 : i32
    %eq3A_30 = arith.cmpi eq, %arg0, %eq3A : i32
    %slice3A = vector.extract_strided_slice %dot_general3A_29 {offsets = [0, 0], sizes = [1000, 64], strides = [1, 1]} : vector<1000x128xf32> to vector<1000x64xf32>
    %slice3A_31 = vector.extract_strided_slice %dot_general3A_29 {offsets = [0, 64], sizes = [1000, 64], strides = [1, 1]} : vector<1000x128xf32> to vector<1000x64xf32>
    %select_n3A = arith.select %eq3A_30, %slice3A, %slice3A_31 : vector<1000x64xf32>
    %convert_element_type3A_32 = arith.truncf %select_n3A : vector<1000x64xf32> to vector<1000x64xbf16>
    %broadcast_in_dim3A = vector.shape_cast %convert_element_type3A_32 : vector<1000x64xbf16> to vector<1x1000x64xbf16>
    %swap3A_33 = arith.constant 0 : index
    %swap3A_34 = arith.constant 0 : index
    %swap3A_35 = arith.constant 0 : index
    %swap3A_36 = vector.load %arg10[%swap3A_33, %swap3A_34, %swap3A_35] : memref<1x1000x64xbf16, #tpu.memory_space<vmem>>, vector<1x1000x64xbf16>
    tpu.vector_store %arg10[%swap3A_33, %swap3A_34, %swap3A_35], %broadcast_in_dim3A {strides = array<i32>} : memref<1x1000x64xbf16, #tpu.memory_space<vmem>>, vector<1x1000x64xbf16>,
    return
  }
  func.func @transform_0(%arg0: i32, %arg1: i32) -> (i32, i32) {
    %c0_i32 = arith.constant 0 : i32
    %c0_i32_0 = arith.constant 0 : i32
    return %arg1, %c0_i32 : i32, i32
  }
  func.func @transform_1(%arg0: i32, %arg1: i32) -> (i32, i32) {
    %c0_i32 = arith.constant 0 : i32
    %c0_i32_0 = arith.constant 0 : i32
    return %arg1, %c0_i32 : i32, i32
  }
  func.func @transform_2(%arg0: i32, %arg1: i32) -> (i32, i32) {
    %c0_i32 = arith.constant 0 : i32
    %c0_i32_0 = arith.constant 0 : i32
    return %arg1, %c0_i32 : i32, i32
  }
  func.func @transform_3(%arg0: i32, %arg1: i32) -> (i32, i32) {
    %c0_i32 = arith.constant 0 : i32
    %c0_i32_0 = arith.constant 0 : i32
    return %arg1, %c0_i32 : i32, i32
  }
  func.func @transform_4(%arg0: i32, %arg1: i32) -> (i32, i32) {
    %c0_i32 = arith.constant 0 : i32
    %c0_i32_0 = arith.constant 0 : i32
    %c0_i32_1 = arith.constant 0 : i32
    return %c0_i32, %c0_i32_0 : i32, i32
  }
  func.func @transform_5(%arg0: i32, %arg1: i32) -> (i32, i32) {
    %c0_i32 = arith.constant 0 : i32
    %c0_i32_0 = arith.constant 0 : i32
    %c0_i32_1 = arith.constant 0 : i32
    return %c0_i32, %c0_i32_0 : i32, i32
  }
  func.func @transform_6(%arg0: i32, %arg1: i32) -> (i32, i32) {
    %c0_i32 = arith.constant 0 : i32
    %c0_i32_0 = arith.constant 0 : i32
    %c0_i32_1 = arith.constant 0 : i32
    return %c0_i32, %c0_i32_0 : i32, i32
  }
  func.func @transform_7(%arg0: i32, %arg1: i32) -> (i32, i32) {
    %c0_i32 = arith.constant 0 : i32
    %c0_i32_0 = arith.constant 0 : i32
    return %arg1, %c0_i32 : i32, i32
  }
  func.func @transform_8(%arg0: i32, %arg1: i32) -> (i32, i32, i32) {
    %c0_i32 = arith.constant 0 : i32
    %c0_i32_0 = arith.constant 0 : i32
    return %arg0, %arg1, %c0_i32 : i32, i32, i32
  }
}

module attributes {stable_mosaic.version = 14 : i64} {
  func.func @_combine2_body(%arg0: i32, %arg1: memref<1000x64xbf16, #tpu.memory_space<vmem>>, %arg2: memref<1000x64xbf16, #tpu.memory_space<vmem>>, %arg3: memref<1000x1xf32, #tpu.memory_space<vmem>>, %arg4: memref<1000x128xf32, #tpu.memory_space<vmem>>, %arg5: memref<128x128xf32, #tpu.memory_space<vmem>>, %arg6: memref<1x128xf32, #tpu.memory_space<vmem>>, %arg7: memref<1000x128xf32, #tpu.memory_space<vmem>>) attributes {dimension_semantics = [#tpu.dimension_semantics<arbitrary>], iteration_bounds = array<i64: 10>, scalar_prefetch = 0 : i64, scratch_operands = 0 : i64, tpu.core_type = #tpu.core_type<tc>, window_params = [{transform_indices = @transform_0, window_bounds = array<i64: 1000, 64>}, {transform_indices = @transform_1, window_bounds = array<i64: 1000, 64>}, {transform_indices = @transform_2, window_bounds = array<i64: 1000, 1>}, {transform_indices = @transform_3, window_bounds = array<i64: 1000, 128>}, {pipeline_mode = #tpu.pipeline_mode<synchronous>, transform_indices = @transform_4, window_bounds = array<i64: 128, 128>}, {pipeline_mode = #tpu.pipeline_mode<synchronous>, transform_indices = @transform_5, window_bounds = array<i64: 1, 128>}, {transform_indices = @transform_6, window_bounds = array<i64: 1000, 128>}]} {
    %get3A = arith.constant 0 : index
    %get3A_0 = arith.constant 0 : index
    %get3A_1 = vector.load %arg1[%get3A, %get3A_0] : memref<1000x64xbf16, #tpu.memory_space<vmem>>, vector<1000x64xbf16>
    %get3A_2 = arith.constant 0 : index
    %get3A_3 = arith.constant 0 : index
    %get3A_4 = vector.load %arg2[%get3A_2, %get3A_3] : memref<1000x64xbf16, #tpu.memory_space<vmem>>, vector<1000x64xbf16>
    %concatenate3A = tpu.concatenate %get3A_1, %get3A_4 in 1 : vector<1000x64xbf16>, vector<1000x64xbf16> -> vector<1000x128xbf16>
    %convert_element_type3A = arith.extf %concatenate3A : vector<1000x128xbf16> to vector<1000x128xf32>
    %get3A_5 = arith.constant 0 : index
    %get3A_6 = arith.constant 0 : index
    %get3A_7 = vector.load %arg3[%get3A_5, %get3A_6] : memref<1000x1xf32, #tpu.memory_space<vmem>>, vector<1000x1xf32>
    %mul3A = vector.broadcast %get3A_7 : vector<1000x1xf32> to vector<1000x128xf32>
    %mul3A_8 = arith.mulf %convert_element_type3A, %mul3A : vector<1000x128xf32>
    %get3A_9 = arith.constant 0 : index
    %get3A_10 = arith.constant 0 : index
    %get3A_11 = vector.load %arg4[%get3A_9, %get3A_10] : memref<1000x128xf32, #tpu.memory_space<vmem>>, vector<1000x128xf32>
    %get3A_12 = arith.constant 0 : index
    %get3A_13 = arith.constant 0 : index
    %get3A_14 = vector.load %arg5[%get3A_12, %get3A_13] : memref<128x128xf32, #tpu.memory_space<vmem>>, vector<128x128xf32>
    %dot_general3A = arith.constant dense<0.000000e+00> : vector<1000x128xf32>
    %dot_general3A_15 = tpu.matmul %get3A_11, %get3A_14, %dot_general3A {dimension_numbers = #tpu.dot_dimension_numbers<[1], [1], [0], [0], [0, 0, 1, 0], [], []>, transpose_lhs_hint = false} : vector<1000x128xf32>, vector<128x128xf32>, vector<1000x128xf32> -> vector<1000x128xf32>
    %get3A_16 = arith.constant 0 : index
    %get3A_17 = arith.constant 0 : index
    %get3A_18 = vector.load %arg6[%get3A_16, %get3A_17] : memref<1x128xf32, #tpu.memory_space<vmem>>, vector<1x128xf32>
    %add3A = vector.broadcast %get3A_18 : vector<1x128xf32> to vector<1000x128xf32>
    %add3A_19 = arith.addf %mul3A_8, %add3A : vector<1000x128xf32>
    %add3A_20 = arith.addf %add3A_19, %dot_general3A_15 : vector<1000x128xf32>
    %swap3A = arith.constant 0 : index
    %swap3A_21 = arith.constant 0 : index
    %swap3A_22 = vector.load %arg7[%swap3A, %swap3A_21] : memref<1000x128xf32, #tpu.memory_space<vmem>>, vector<1000x128xf32>
    tpu.vector_store %arg7[%swap3A, %swap3A_21], %add3A_20 {strides = array<i32>} : memref<1000x128xf32, #tpu.memory_space<vmem>>, vector<1000x128xf32>,
    return
  }
  func.func @transform_0(%arg0: i32) -> (i32, i32) {
    %c0_i32 = arith.constant 0 : i32
    %c0_i32_0 = arith.constant 0 : i32
    return %arg0, %c0_i32 : i32, i32
  }
  func.func @transform_1(%arg0: i32) -> (i32, i32) {
    %c0_i32 = arith.constant 0 : i32
    %c0_i32_0 = arith.constant 0 : i32
    return %arg0, %c0_i32 : i32, i32
  }
  func.func @transform_2(%arg0: i32) -> (i32, i32) {
    %c0_i32 = arith.constant 0 : i32
    %c0_i32_0 = arith.constant 0 : i32
    return %arg0, %c0_i32 : i32, i32
  }
  func.func @transform_3(%arg0: i32) -> (i32, i32) {
    %c0_i32 = arith.constant 0 : i32
    %c0_i32_0 = arith.constant 0 : i32
    return %arg0, %c0_i32 : i32, i32
  }
  func.func @transform_4(%arg0: i32) -> (i32, i32) {
    %c0_i32 = arith.constant 0 : i32
    %c0_i32_0 = arith.constant 0 : i32
    %c0_i32_1 = arith.constant 0 : i32
    return %c0_i32, %c0_i32_0 : i32, i32
  }
  func.func @transform_5(%arg0: i32) -> (i32, i32) {
    %c0_i32 = arith.constant 0 : i32
    %c0_i32_0 = arith.constant 0 : i32
    %c0_i32_1 = arith.constant 0 : i32
    return %c0_i32, %c0_i32_0 : i32, i32
  }
  func.func @transform_6(%arg0: i32) -> (i32, i32) {
    %c0_i32 = arith.constant 0 : i32
    %c0_i32_0 = arith.constant 0 : i32
    return %arg0, %c0_i32 : i32, i32
  }
}

</mosaic_0001>

<sc_bundles>
// kernel: kernel.11.cloned.1.call-start
scs
__scs_entry_jumppad:
0x0: {  	(pc) =	sbr.rel $0x88, $3  }
0x1: {  	(tag) =	ssettag $0x0;
	lr =	simm.s32 $0x1  }
0x2: {  	[smem:$0x3F99] =	sst lr;
	_ =	strace $0xD0000000  }
0x3: {  	_ = 	snop  }
0x4: {  	_ = 	snop  }
0x5: {  	_ = 	snop  }
0x6: {  	_ = 	snop  }
0x7: {  	_ = 	snop  }
__scs_overlays_trampoline_lowered:
0x8: {  	[smem:$0x3FA8] =	sst s0  }
0x9: {  	[smem:$0x3FA9] =	sst s1  }
0xa: {  	[smem:$0x3FAA] =	sst s2  }
0xb: {  	[smem:$0x3FAB] =	sst s3  }
0xc: {  	[smem:$0x3FAC] =	sst s4  }
0xd: {  	[smem:$0x3FAD] =	sst s5  }
0xe: {  	[smem:$0x3FAE] =	sst s6  }
0xf: {  	[smem:$0x3FAF] =	sst s7  }
0x10: {  	[smem:$0x3FB0] =	sst s8  }
0x11: {  	[smem:$0x3FB1] =	sst s9;
	s0 =	simm.s32 @!p0 $0x0  }
0x12: {  	s1 =	sld [smem:$0x3F97];
	s0 =	simm.s32 @p0 $0x1  }
0x13: {  	[smem:$0x3FB2] =	sst s0;
	s0 =	simm.s32 @!p1 $0x0  }
0x14: {  	s2 =	sld [smem:$0x3F96];
	s0 =	simm.s32 @p1 $0x1  }
0x15: {  	[smem:$0x3FB3] =	sst s0;
	s0 =	simm.s32 @!p2 $0x0  }
0x16: {  	s3 =	sld [smem:$0x3FDB];
	s0 =	simm.s32 @p2 $0x1  }
0x17: {  	s4 =	simm.s32 $0x1BF5;
	[smem:$0x3FB5] =	sst s0  }
0x18: {  	s0 =	sld [smem:$0x3F98];
	_ =	swait.ge [sflag:s4], $0x0  }
0x19: {  	s7 =	sld [smem:$0x3F99]  }
0x1a: {  	s8 =	sadd.s32 $0xFFFFE003, lr  }
0x1b: {  	s9 =	sadd.s32 $0xFFFFFEF7, lr;
	s5 =	simm.s32 $0xFFFFFFFF;
	p2 =	slt.u32 s8, $0xFFFFF086  }
0x1c: {  	p1 =	slt.u32 s9, $0xF7A;
	s5 =	simm.s32 @!p2 $0x0  }
0x1d: {  	s5 =	simm.s32 @p1 $0x1;
	p0 =	seq.s32 s7, s2  }
0x1e: {  	s7 =	smul.u32 @!p0 $0xF7A, s2;
	p2 =	seq.s32 @!p0 s5, $0x0  }
0x1f: {  	s9 =	smul.u32 $0xF7A, s1;
	s8 =	simm.s32 @!p0 $0x1BF5;
	p2 =	por !p2, p0  }
0x20: {  	[sflag:s8] =	ssyncset.s32 @!p0 $0xFFFFF086;
	s6 =	sadd.s32 @!p0 s3, s7;
	s7 =	simm.s32 @!p0 $0x108  }
0x21: {  	s3 =	sadd.s32 s3, s9;
	s6 =	sadd.s32 @!p0 $0x88, s6;
	s7 =	simm.s32 @p2 $0x1082  }
0x22: {  	[simem:s7], [sflag:s8] =	dma.local @!p0 [hbm:s6], $0xF7A  }
0x23: {  	s9 =	sor.u32 $0xD0000000, s2;
	s6 =	simm.s32 $0x108;
	_ =	swait.ge @!p0 [sflag:s8], $0x0  }
0x24: {  	s3 =	sadd.s32 $0x88, s3;
	s6 =	simm.s32 @!p1 $0x1082;
	[sflag:s4] =	ssyncset.s32 $0xFFFFF086  }
0x25: {  	[simem:s6], [sflag:s4] =	dma.local [hbm:s3], $0xF7A  }
0x26: {  	[smem:$0x3F99] =	sst s1;
	(tag) =	ssettag s2;
	_ =	strace s9  }
0x27: {  	s1 =	sld [smem:$0x3FA9]  }
0x28: {  	s2 =	sld [smem:$0x3FAA]  }
0x29: {  	s4 =	sld [smem:$0x3FAC]  }
0x2a: {  	p0 =	seq.s32 s5, $0x0;
	s5 =	sld [smem:$0x3FAD]  }
0x2b: {  	s6 =	sld [smem:$0x3FAE]  }
0x2c: {  	s7 =	sld [smem:$0x3FAF]  }
0x2d: {  	s3 =	simm.s32 $0x108;
	s8 =	sld [smem:$0x3FB0]  }
0x2e: {  	s3 =	simm.s32 @!p0 $0x1082;
	s9 =	sld [smem:$0x3FB1]  }
0x2f: {  	lr =	sadd.s32 s0, s3;
	s0 =	sld [smem:$0x3FA8]  }
0x30: {  	s3 =	sld [smem:$0x3FAB]  }
0x31: {  	[smem:$0x3FB4] =	sst s10  }
0x32: {  	s10 =	sld [smem:$0x3FB2];
	_ =	sdelay $0x3  }
0x33: {  	p0 =	seq.s32 s10, $0x1;
	s10 =	sld [smem:$0x3FB4];
	_ =	sdelay $0x3  }
0x34: {  	[smem:$0x3FB4] =	sst s10  }
0x35: {  	s10 =	sld [smem:$0x3FB3];
	_ =	sdelay $0x3  }
0x36: {  	p1 =	seq.s32 s10, $0x1;
	s10 =	sld [smem:$0x3FB4];
	_ =	sdelay $0x3  }
0x37: {  	[smem:$0x3FB4] =	sst s10  }
0x38: {  	s10 =	sld [smem:$0x3FB5]  }
0x39: {  	_ = 	snop;
	(pc) =	sbr.ind lr, $3  }
0x3a: {  	_ = 	snop  }
0x3b: {  	_ = 	snop  }
0x3c: {  	p2 =	seq.s32 s10, $0x1;
	s10 =	sld [smem:$0x3FB4]  }
0x3d: {  	_ =	shalt  }
0x3e: {  	_ =	shalt  }
0x3f: {  	_ =	shalt  }
0x40: {  	_ =	shalt  }
0x41: {  	_ =	shalt  }
0x42: {  	_ =	shalt  }
0x43: {  	_ =	shalt  }
0x44: {  	_ =	shalt  }
0x45: {  	_ =	shalt  }
0x46: {  	_ =	shalt  }
0x47: {  	_ =	shalt  }
0x48: {  	_ =	shalt  }
0x49: {  	_ =	shalt  }
0x4a: {  	_ =	shalt  }
0x4b: {  	_ =	shalt  }
0x4c: {  	_ =	shalt  }
0x4d: {  	_ =	shalt  }
0x4e: {  	_ =	shalt  }
0x4f: {  	_ =	shalt  }
0x50: {  	_ =	shalt  }
0x51: {  	_ =	shalt  }
0x52: {  	_ =	shalt  }
0x53: {  	_ =	shalt  }
0x54: {  	_ =	shalt  }
0x55: {  	_ =	shalt  }
0x56: {  	_ =	shalt  }
0x57: {  	_ =	shalt  }
0x58: {  	_ =	shalt  }
0x59: {  	_ =	shalt  }
0x5a: {  	_ =	shalt  }
0x5b: {  	_ =	shalt  }
0x5c: {  	_ =	shalt  }
0x5d: {  	_ =	shalt  }
0x5e: {  	_ =	shalt  }
0x5f: {  	_ =	shalt  }
0x60: {  	_ =	shalt  }
0x61: {  	_ =	shalt  }
0x62: {  	_ =	shalt  }
0x63: {  	_ =	shalt  }
0x64: {  	_ =	shalt  }
0x65: {  	_ =	shalt  }
0x66: {  	_ =	shalt  }
0x67: {  	_ =	shalt  }
0x68: {  	_ =	shalt  }
0x69: {  	_ =	shalt  }
0x6a: {  	_ =	shalt  }
0x6b: {  	_ =	shalt  }
0x6c: {  	_ =	shalt  }
0x6d: {  	_ =	shalt  }
0x6e: {  	_ =	shalt  }
0x6f: {  	_ =	shalt  }
0x70: {  	_ =	shalt  }
0x71: {  	_ =	shalt  }
0x72: {  	_ =	shalt  }
0x73: {  	_ =	shalt  }
0x74: {  	_ =	shalt  }
0x75: {  	_ =	shalt  }
0x76: {  	_ =	shalt  }
0x77: {  	_ =	shalt  }
0x78: {  	_ =	shalt  }
0x79: {  	_ =	shalt  }
0x7a: {  	_ =	shalt  }
0x7b: {  	_ =	shalt  }
0x7c: {  	_ =	shalt  }
0x7d: {  	_ =	shalt  }
0x7e: {  	_ =	shalt  }
0x7f: {  	_ =	shalt  }
0x80: {  	_ =	shalt  }
0x81: {  	_ =	shalt  }
0x82: {  	_ =	shalt  }
0x83: {  	_ =	shalt  }
0x84: {  	_ =	shalt  }
0x85: {  	_ =	shalt  }
0x86: {  	_ =	shalt  }
0x87: {  	_ =	shalt  }
.Lfunc_end0:
.L_simem_size_0:
called_computation.1_lowered:
.L_overlay_start_0:
0x88: {  	s2 =	sld [smem:$0x3FD9]  }
0x89: {  	s3 =	sld [smem:$0x3FFE];
	_ =	sdelay $0x1  }
0x8a: {  	s1 =	srdreg.scid  }
0x8b: {  	s0 =	sand.u32 $0x1, s1  }
0x8c: {  	s17 =	sshll.u32 s0, $0xA;
	s2 =	sadd.s32 s3, s2  }
0x8d: {  	s2 =	sadd.s32 s2, s17  }
0x8e: {  	[smem:$0x3FC0] =	sst s2  }
0x8f: {  	_ = 	snop  }
0x90: {  	s2 =	sld [smem:$0x3FD0];
	(tm) =	ssettm $0x1  }
0x91: {  	s18 =	sld [smem:$0x3FFB];
	_ =	sdelay $0x3  }
0x92: {  	_ =	strace s18  }
0x93: {  	s3 =	sld [smem:$0x3FFC];
	_ =	sdelay $0x3  }
0x94: {  	_ =	strace s3  }
0x95: {  	s3 =	sld [smem:$0x3FFD];
	_ =	sdelay $0x3  }
0x96: {  	_ =	strace s3  }
0x97: {  	_ =	strace $0x8FFFFFFF  }
0x98: {  	s19 =	sld [smem:$0x3FDB];
	_ =	sdelay $0x1  }
0x99: {  	s4 =	simm.s32 $_scs_section_size  }
0x9a: {  	s5 =	simm.s32 $_size__tile_overlayer_lowered;
	s6 =	simm.s32 $_tile_overlayer_lowered  }
0x9b: {  	s22 =	simm.s32 $0x1BFF;
	s21 =	sshll.u32 s6, $0x1;
	s3 =	sadd.s32 s4, s19  }
0x9c: {  	s7 =	simm.s32 $0x0;
	s20 =	sshll.u32 s5, $0x1;
	s5 =	sadd.s32 s21, s3  }
0x9d: {  	[timem:s7], [sflag:s22] =	dma.local [hbm:s5], s20  }
0x9e: {  	_ =	swait.ge [sflag:s22], s20  }
0x9f: {  	s4 =	ssub.s32 $0x0, s20;
	[sflag:s22] =	ssyncset.done $0x0  }
0xa0: {  	[sflag:s22] =	ssyncadd.s32 s4;
	_ =	sdelay $0x1  }
0xa1: {  	s23 =	simm.s32 $0x1B8B  }
0xa2: {  	_ =	swait.ge [sflag:s23], $0x1  }
0xa3: {  	[sflag:s23] =	ssyncset.done $0x0  }
0xa4: {  	s25 =	simm.s32 $0x1B8E;
	s24 =	sld [smem:$0x3FFE];
	[sflag:s23] =	ssyncadd.s32 $0xFFFFFFFF  }
0xa5: {  	s26 =	simm.s32 $execute0_lowered;
	[smem:$0x3FD2] =	sst s25  }
0xa6: {  	s5 =	sshll.u32 s26, $0x1;
	_ =	strace $0x80000049;
	[dreg:$0x1] =	wrdreg $0xFFFFFFFF  }
0xa7: {  	s28 =	simm.s32 $_size_execute0_lowered;
	s3 =	sadd.s32 s3, s5;
	[dreg:$0x0] =	wrdreg $0x0  }
0xa8: {  	s5 =	sshll.u32 s28, $0x1;
	[dreg:$0x2] =	wrdreg s3  }
0xa9: {  	[dreg:$0x3] =	wrdreg s5  }
0xaa: {  	[dreg:$0x4] =	wrdreg $0xC0  }
0xab: {  	_ =	task [dreg:s7], $0x5FFFF  }
0xac: {  	[dreg:$0x1] =	wrdreg $0xFFFFFFFF  }
0xad: {  	[dreg:$0x0] =	wrdreg $0x60  }
0xae: {  	[dreg:$0x2] =	wrdreg s24  }
0xaf: {  	[dreg:$0x3] =	wrdreg s2  }
0xb0: {  	[dreg:$0x4] =	wrdreg $0xE8000  }
0xb1: {  	[dreg:$0x5] =	wrdreg $0x9  }
0xb2: {  	_ =	task.clear_ibuf [dreg:s7], $0x6FFFF;
	_ =	strace $0x90000049  }
0xb3: {  	s29 =	simm.s32 $0x9;
	_ =	strace $0x8000004B  }
0xb4: {  	_ =	swait.ge [sflag:s29], $0x1  }
0xb5: {  	[sflag:s29] =	ssyncadd.s32 $0xFFFFFFFF  }
0xb6: {  	_ =	strace $0x9000004B  }
0xb7: {  	_ =	sfence  }
0xb8: {  	s30 =	sld [smem:$0x0];
	_ =	sdelay $0x2  }
0xb9: {  	s31 =	sshll.u32 s1, $0xD;
	s1 =	sshrl.u32 s1, $0x2  }
0xba: {  	s3 =	sand.u32 $0x4000, s31;
	s1 =	sadd.s32 s1, s30  }
0xbb: {  	s0 =	sor.u32 s3, s0;
	s1 =	sshll.u32 s1, $0x11  }
0xbc: {  	s0 =	sor.u32 s1, s0  }
0xbd: {  	s0 =	sadd.s32 $0x8F2B, s0  }
0xbe: {  	[sflag:s0] =	ssyncadd.remote.s32 $0x1  }
0xbf: {  	_ =	sfence.sel $0xFFFF  }
0xc0: {  	[dreg:$0x0] =	wrdreg $0xFFFFFFFF;
	(pc) =	sbr.abs _section_cstart, $3  }
0xc1: {  	[dreg:$0x1] =	wrdreg $0xFFFFFFFF  }
0xc2: {  	_ =	task.clear_ibuf [dreg:s7], $0x2FFFF;
	_ =	strace $0x9FFFFFFF  }
0xc3: {  	(tm) =	ssettm $0x7FFFFFFF  }
tec
execute0_lowered:
.L_overlay_start_1:
0x0: {  	(tag) =	ssettag $0x1  }
0x1: {  	s5 =	rddreg [dreg:$0x0]  }
0x2: {  	s9 =	rddreg [dreg:$0x1]  }
0x3: {  	s2 =	rddreg [dreg:$0x2]  }
0x4: {  	s0 =	srdreg.scid;
	s1 =	rddreg [dreg:$0x3]  }
0x5: {  	s3 =	simm.s32 $0x0;
	s16 =	simm.s32 $0x80;
	s6 =	sand.u32 $0x1, s0  }
0x6: {  	s17 =	simm.s32 $0xA000;
	s0 =	stileid.u32;
	s4 =	smul.u32 $0x9C400, s6  }
0x7: {  	s18 =	simm.s32 $0xB000;
	s19 =	simm.s32 $0x1;
	s7 =	smul.u32 $0x9C40, s0  }
0x8: {  	s20 =	simm.s32 $0xC000;
	s21 =	simm.s32 $0x2;
	s10 =	smul.u32 $0xA00, s0  }
0x9: {  	s22 =	simm.s32 $0x3;
	[smem:$0x7FF] =	sst s3;
	s12 =	smul.u32 $0x14000, s0  }
0xa: {  	s8 =	sshll.u32 s6, $0x4;
	s24 =	ssub.s32 $0x2, s6;
	s6 =	smul.u32 $0xA0000, s6  }
0xb: {  	s23 =	simm.s32 $0x4;
	_ =	strace $0x8000004A;
	s14 =	smul.u32 $0xA000, s0  }
0xc: {  	s28 =	sshll.u32 s0, $0x6;
	s8 =	sor.u32 s0, s8;
	s26 =	sshrl.u32 s24, $0x1  }
0xd: {  	s4 =	sadd.s32 s7, s4;
	s8 =	smul.u32 $0x500, s8;
	s10 =	sadd.s32 s10, s5  }
0xe: {  	s25 =	sshrl.u32 s12, $0x2;
	s12 =	ssub.s32 s24, s26;
	s7 =	sshrl.u32 s7, $0x1  }
0xf: {  	s29 =	sadd.s32 s14, s6;
	s24 =	simm.s32 $0x0;
	s4 =	sshrl.u32 s4, $0x4  }
0x10: {  	s30 =	sadd.s32 s7, s2;
	s31 =	sshrl.u32 s29, $0x4;
	s7 =	sadd.s32 $0x21200, s10  }
0x11: {  	s11 =	sadd.s32 s4, s5;
	s4 =	sadd.s32 $0x2E00, s5;
	s13 =	sadd.s32 s8, s5  }
0x12: {  	s8 =	sadd.s32 s25, s2;
	s5 =	sor.u32 $0x1C05, s28;
	s9 =	sadd.s32 s9, s31  }
0x13: {  	s14 =	sshrl.u32 s30, $0x3;
	s15 =	sadd.s32 $0x4E200, s8;
	s6 =	sadd.s32 $0x3800, s11  }
0x14: {  	s8 =	sadd.s32 $0x17200, s10;
	s10 =	sadd.s32 $0x53200, s13;
	s11 =	smax.u32 s12, $0x1  }
0x15: {  	v0 =	vimm.f32 $0.0e+00;
	v1 =	vimm.f32 $1.000000000e+00;
	s13 =	simm.s32 $0x5;
	s12 =	sshrl.u32 s15, $0x3;
	s15 =	simm.s32 $0x5000  }
.LBB2_1:
0x16: {  	[spmem:s12], [sflag:s5] =	dma.local [hbm:s4], $0xA00  }
0x17: {  	_ =	swait.ge [sflag:s13], $0xA00  }
0x18: {  	[sflag:s13] =	ssyncset.done $0x0  }
0x19: {  	s25 =	simm.s32 $0x40;
	s26 =	simm.s32 $0x0;
	[sflag:s13] =	ssyncadd.s32 $0xFFFFF600  }
.LBB2_2:
0x1a: {  	p0 =	sne.s32 s25, $0x9FC0;
	[tilespmem:s26+$0xC000] =	vst v0;
	s26 =	smov.u32 s25;
	s25 =	sadd.s32 $0x40, s25  }
.Ltmp0:
0x1b: {  	(pc) =	sbr.rel @p0 .LBB2_2-.Ltmp0, $2  }
0x1c: {  	_ =	sdelay $0x2  }
0x1d: {  	s26 =	sshra.s32 s26, $0x2  }
0x1e: {  	[tilespmem:s26+$0xC000] =	vst v0  }
0x1f: {  	[spmem:s14], [sflag:s5] =	dma.local [hbm:s6], $0x9C4  }
0x20: {  	_ =	swait.ge [sflag:s13], $0x9C4  }
0x21: {  	[sflag:s13] =	ssyncset.done $0x0  }
0x22: {  	[sflag:s13] =	ssyncadd.s32 $0xFFFFF63C  }
0x23: {  	[tilespmem:s3], [sflag:$0x5] =	stream.linear.gather [hbm4b:s7+s3], $0x5000, $0x38;
	[tilespmem:$0x18620] =	vst v63  }
0x24: {  	_ =	swait.ge [sflag:s13], $0x5000  }
0x25: {  	[sflag:s13] =	ssyncset.done $0x0  }
0x26: {  	[sflag:s13] =	ssyncadd.s32 $0xFFFFB000  }
0x27: {  	[tilespmem:s15], [sflag:$0x5] =	stream.linear.gather [hbm4b:s8+s3], $0x5000, $0x38;
	[tilespmem:$0x18620] =	vst v63  }
0x28: {  	_ =	swait.ge [sflag:s13], $0x5000  }
0x29: {  	[sflag:s13] =	ssyncset.done $0x0  }
0x2a: {  	[sflag:s13] =	ssyncadd.s32 $0xFFFFB000  }
0x2b: {  	[bflag:$0x0] =	sbarrier.arrive $0xFFFF  }
0x2c: {  	[tilespmem:s17], [sflag:$0x1] =	stream.indirect.gather [spmem:s2], $0x20, s3, s16, $0xb8;
	[tilespmem:$0x18620] =	vst v63  }
0x2d: {  	s25 =	simm.s32 $0x600  }
0x2e: {  	[tilespmem:s18], [sflag:$0x2] =	stream.indirect.gather [spmem:s2], $0x20, s16, s16, $0xb8;
	[tilespmem:$0x18620] =	vst v63  }
.LBB2_4:
0x2f: {  	_ =	swait.ge [sflag:s19], $0x1000  }
0x30: {  	s26 =	sshra.s32 s25, $0x2;
	[sflag:s19] =	ssyncset.done $0x0  }
0x31: {  	s28 =	sadd.s32 $0x4E80, s26;
	[sflag:s19] =	ssyncadd.s32 $0xFFFFF000  }
0x32: {  	[spmem:s2] =	stream.indirect.scatter.add.bf16 [tilespmem:s17], [sflag:$0x3], $0x20, s28, s16, $0xb8;
	[tilespmem:$0x18620] =	vst v63  }
0x33: {  	v2 =	vld [tilespmem:s26+$0x4E80];
	_ =	sdelay $0x4  }
0x34: {  	v2 =	vadd.s32 $0xFFFFD8F0, v2;
	_ =	sdelay $0x4  }
0x35: {  	[tilespmem:v2+s20+$0x0] =	vst.idx.add.f32.msk $0xffff, v1  }
0x36: {  	v2 =	vld [tilespmem:s26+$0x4E90];
	_ =	sdelay $0x4  }
0x37: {  	v2 =	vadd.s32 $0xFFFFD8F0, v2;
	_ =	sdelay $0x4  }
0x38: {  	[tilespmem:v2+s20+$0x0] =	vst.idx.add.f32.msk $0xffff, v1  }
0x39: {  	v2 =	vld [tilespmem:s26+$0x4EA0];
	_ =	sdelay $0x4  }
0x3a: {  	v2 =	vadd.s32 $0xFFFFD8F0, v2;
	_ =	sdelay $0x4  }
0x3b: {  	[tilespmem:v2+s20+$0x0] =	vst.idx.add.f32.msk $0xffff, v1  }
0x3c: {  	v2 =	vld [tilespmem:s26+$0x4EB0];
	_ =	sdelay $0x4  }
0x3d: {  	v2 =	vadd.s32 $0xFFFFD8F0, v2;
	_ =	sdelay $0x4  }
0x3e: {  	[tilespmem:v2+s20+$0x0] =	vst.idx.add.f32.msk $0xffff, v1  }
0x3f: {  	v2 =	vld [tilespmem:s26+$0x4EC0];
	_ =	sdelay $0x4  }
0x40: {  	v2 =	vadd.s32 $0xFFFFD8F0, v2;
	_ =	sdelay $0x4  }
0x41: {  	[tilespmem:v2+s20+$0x0] =	vst.idx.add.f32.msk $0xffff, v1  }
0x42: {  	v2 =	vld [tilespmem:s26+$0x4ED0];
	_ =	sdelay $0x4  }
0x43: {  	v2 =	vadd.s32 $0xFFFFD8F0, v2;
	_ =	sdelay $0x4  }
0x44: {  	[tilespmem:v2+s20+$0x0] =	vst.idx.add.f32.msk $0xffff, v1  }
0x45: {  	v2 =	vld [tilespmem:s26+$0x4EE0];
	_ =	sdelay $0x4  }
0x46: {  	v2 =	vadd.s32 $0xFFFFD8F0, v2;
	_ =	sdelay $0x4  }
0x47: {  	[tilespmem:v2+s20+$0x0] =	vst.idx.add.f32.msk $0xffff, v1  }
0x48: {  	v2 =	vld [tilespmem:s26+$0x4EF0];
	_ =	sdelay $0x4  }
0x49: {  	v2 =	vadd.s32 $0xFFFFD8F0, v2;
	_ =	sdelay $0x4  }
0x4a: {  	[tilespmem:v2+s20+$0x0] =	vst.idx.add.f32.msk $0xffff, v1  }
0x4b: {  	_ =	swait.ge [sflag:s21], $0x1000  }
0x4c: {  	[sflag:s21] =	ssyncset.done $0x0  }
0x4d: {  	[sflag:s21] =	ssyncadd.s32 $0xFFFFF000  }
0x4e: {  	p0 =	seq.s32 s25, $0x14200;
	s28 =	sadd.s32 $0xFFFFFE00, s25;
	_ =	swait.ge [sflag:s22], $0x1000  }
0x4f: {  	s28 =	simm.s32 @p0 $0x0;
	[sflag:s22] =	ssyncset.done $0x0  }
0x50: {  	s28 =	sshra.s32 s28, $0x2;
	[sflag:s22] =	ssyncadd.s32 $0xFFFFF000  }
0x51: {  	[tilespmem:s17], [sflag:$0x1] =	stream.indirect.gather [spmem:s2], $0x20, s28, s16, $0xb8;
	[tilespmem:$0x18620] =	vst v63  }
0x52: {  	s30 =	sadd.s32 $0x4F00, s26  }
0x53: {  	[spmem:s2] =	stream.indirect.scatter.add.bf16 [tilespmem:s18], [sflag:$0x4], $0x20, s30, s16, $0xb8;
	[tilespmem:$0x18620] =	vst v63  }
0x54: {  	v2 =	vld [tilespmem:s26+$0x4F00];
	_ =	sdelay $0x4  }
0x55: {  	v2 =	vadd.s32 $0xFFFFD8F0, v2;
	_ =	sdelay $0x4  }
0x56: {  	[tilespmem:v2+s20+$0x0] =	vst.idx.add.f32.msk $0xffff, v1  }
0x57: {  	v2 =	vld [tilespmem:s26+$0x4F10];
	_ =	sdelay $0x4  }
0x58: {  	v2 =	vadd.s32 $0xFFFFD8F0, v2;
	_ =	sdelay $0x4  }
0x59: {  	[tilespmem:v2+s20+$0x0] =	vst.idx.add.f32.msk $0xffff, v1  }
0x5a: {  	v2 =	vld [tilespmem:s26+$0x4F20];
	_ =	sdelay $0x4  }
0x5b: {  	v2 =	vadd.s32 $0xFFFFD8F0, v2;
	_ =	sdelay $0x4  }
0x5c: {  	[tilespmem:v2+s20+$0x0] =	vst.idx.add.f32.msk $0xffff, v1  }
0x5d: {  	v2 =	vld [tilespmem:s26+$0x4F30];
	_ =	sdelay $0x4  }
0x5e: {  	v2 =	vadd.s32 $0xFFFFD8F0, v2;
	_ =	sdelay $0x4  }
0x5f: {  	[tilespmem:v2+s20+$0x0] =	vst.idx.add.f32.msk $0xffff, v1  }
0x60: {  	v2 =	vld [tilespmem:s26+$0x4F40];
	_ =	sdelay $0x4  }
0x61: {  	v2 =	vadd.s32 $0xFFFFD8F0, v2;
	_ =	sdelay $0x4  }
0x62: {  	[tilespmem:v2+s20+$0x0] =	vst.idx.add.f32.msk $0xffff, v1  }
0x63: {  	v2 =	vld [tilespmem:s26+$0x4F50];
	_ =	sdelay $0x4  }
0x64: {  	v2 =	vadd.s32 $0xFFFFD8F0, v2;
	_ =	sdelay $0x4  }
0x65: {  	[tilespmem:v2+s20+$0x0] =	vst.idx.add.f32.msk $0xffff, v1  }
0x66: {  	v2 =	vld [tilespmem:s26+$0x4F60];
	_ =	sdelay $0x4  }
0x67: {  	v2 =	vadd.s32 $0xFFFFD8F0, v2;
	_ =	sdelay $0x4  }
0x68: {  	[tilespmem:v2+s20+$0x0] =	vst.idx.add.f32.msk $0xffff, v1  }
0x69: {  	v2 =	vld [tilespmem:s26+$0x4F70];
	_ =	sdelay $0x4  }
0x6a: {  	v2 =	vadd.s32 $0xFFFFD8F0, v2;
	_ =	sdelay $0x4  }
0x6b: {  	p1 =	sne.s32 s25, $0x14200;
	[tilespmem:v2+s20+$0x0] =	vst.idx.add.f32.msk $0xffff, v1  }
.Ltmp1:
0x6c: {  	_ =	swait.ge [sflag:s23], $0x1000;
	(pc) =	sbr.rel @p1 .LBB2_4-.Ltmp1, $4  }
0x6d: {  	s31 =	sadd.s32 $0x400, s25;
	s25 =	simm.s32 @p0 $0x200;
	[sflag:s23] =	ssyncset.done $0x0  }
0x6e: {  	s25 =	sshra.s32 s25, $0x2;
	[sflag:s23] =	ssyncadd.s32 $0xFFFFF000  }
0x6f: {  	[tilespmem:s18], [sflag:$0x2] =	stream.indirect.gather [spmem:s2], $0x20, s25, s16, $0xb8;
	[tilespmem:$0x18620] =	vst v63  }
0x70: {  	s25 =	smov.u32 s31  }
0x71: {  	_ =	swait.ge [sflag:s19], $0x1000  }
0x72: {  	[sflag:s19] =	ssyncset.done $0x0  }
0x73: {  	[sflag:s19] =	ssyncadd.s32 $0xFFFFF000  }
0x74: {  	_ =	swait.ge [sflag:s21], $0x1000  }
0x75: {  	[sflag:s21] =	ssyncset.done $0x0  }
0x76: {  	[sflag:s21] =	ssyncadd.s32 $0xFFFFF000  }
0x77: {  	[bflag:$0x0] =	sbarrier.arrive $0xFFFF  }
0x78: {  	[hbm:s9], [sflag:s5] =	dma.local [spmem:s12], $0xA00  }
0x79: {  	s24 =	sadd.s32 $0x1, s24;
	_ =	swait.ge [sflag:s13], $0xA00  }
0x7a: {  	p0 =	sne.s32 s24, s11;
	[sflag:s13] =	ssyncset.done $0x0  }
.Ltmp2:
0x7b: {  	[sflag:s13] =	ssyncadd.s32 $0xFFFFF600;
	(pc) =	sbr.rel @p0 .LBB2_1-.Ltmp2, $4  }
0x7c: {  	[hbm4b:s10+s3] =	stream.linear.scatter [tilespmem:s20], [sflag:$0x5], $0x2800, $0x38;
	[tilespmem:$0x18620] =	vst v63  }
0x7d: {  	_ =	swait.ge [sflag:s13], $0x2800  }
0x7e: {  	[sflag:s13] =	ssyncset.done $0x0  }
0x7f: {  	[sflag:s13] =	ssyncadd.s32 $0xFFFFD800  }
0x80: {  	_ =	sfence.sel $0x180000  }
0x81: {  	[bflag:$0x0] =	sbarrier.arrive $0xFFFF  }
0x82: {  	p0 =	sne.s32 s0, $0x0;
	_ =	strace $0x9000004A  }
0x83: {  	s0 =	sadd.s32 @!p0 $0x100000, s1;
	[bflag:$0x2] =	sbarrier.arrive $0xFFFF  }
0x84: {  	[sflag:s0] =	ssyncadd.tile.s32 @!p0 $0x1;
	_ =	shalt  }
.Lfunc_end2:
_tile_overlayer_lowered:
.L_overlay_start_2:
0x85: {  	(tag) =	ssettag $0x2  }
0x86: {  	s0 =	rddreg [dreg:$0x0];
	s2 =	stileid.u32  }
0x87: {  	s1 =	rddreg [dreg:$0x1];
	p0 =	sne.s32 s2, $0x0  }
0x88: {  	s3 =	rddreg [dreg:$0x2];
	[bflag:$0x3] =	sbarrier.arrive $0xFFFF;
	s2 =	simm.s32 @!p0 $0x1C05  }
0x89: {  	[timem:s3], [sflag:s2] =	dma.local @!p0 [hbm:s0], s1  }
0x8a: {  	s0 =	simm.s32 @!p0 $0x5  }
0x8b: {  	_ =	swait.ge @!p0 [sflag:s0], s1  }
0x8c: {  	s1 =	ssub.s32 @!p0 $0x0, s1;
	[sflag:s0] =	ssyncset.done @!p0 $0x0  }
0x8d: {  	[sflag:s0] =	ssyncadd.s32 @!p0 s1  }
0x8e: {  	[bflag:$0x3] =	sbarrier.arrive $0xFFFF  }
0x8f: {  	_ =	shalt  }

// kernel: kernel.8.cloned.1.call-start
scs
__scs_entry_jumppad:
0x0: {  	(pc) =	sbr.rel $0x88, $3  }
0x1: {  	(tag) =	ssettag $0x0;
	lr =	simm.s32 $0x1  }
0x2: {  	[smem:$0x3F99] =	sst lr;
	_ =	strace $0xD0000000  }
0x3: {  	_ = 	snop  }
0x4: {  	_ = 	snop  }
0x5: {  	_ = 	snop  }
0x6: {  	_ = 	snop  }
0x7: {  	_ = 	snop  }
__scs_overlays_trampoline_lowered:
0x8: {  	[smem:$0x3FA8] =	sst s0  }
0x9: {  	[smem:$0x3FA9] =	sst s1  }
0xa: {  	[smem:$0x3FAA] =	sst s2  }
0xb: {  	[smem:$0x3FAB] =	sst s3  }
0xc: {  	[smem:$0x3FAC] =	sst s4  }
0xd: {  	[smem:$0x3FAD] =	sst s5  }
0xe: {  	[smem:$0x3FAE] =	sst s6  }
0xf: {  	[smem:$0x3FAF] =	sst s7  }
0x10: {  	[smem:$0x3FB0] =	sst s8  }
0x11: {  	[smem:$0x3FB1] =	sst s9;
	s0 =	simm.s32 @!p0 $0x0  }
0x12: {  	s1 =	sld [smem:$0x3F97];
	s0 =	simm.s32 @p0 $0x1  }
0x13: {  	[smem:$0x3FB2] =	sst s0;
	s0 =	simm.s32 @!p1 $0x0  }
0x14: {  	s2 =	sld [smem:$0x3F96];
	s0 =	simm.s32 @p1 $0x1  }
0x15: {  	[smem:$0x3FB3] =	sst s0;
	s0 =	simm.s32 @!p2 $0x0  }
0x16: {  	s3 =	sld [smem:$0x3FDB];
	s0 =	simm.s32 @p2 $0x1  }
0x17: {  	s4 =	simm.s32 $0x1BF5;
	[smem:$0x3FB5] =	sst s0  }
0x18: {  	s0 =	sld [smem:$0x3F98];
	_ =	swait.ge [sflag:s4], $0x0  }
0x19: {  	s7 =	sld [smem:$0x3F99]  }
0x1a: {  	s8 =	sadd.s32 $0xFFFFE003, lr  }
0x1b: {  	s9 =	sadd.s32 $0xFFFFFEF7, lr;
	s5 =	simm.s32 $0xFFFFFFFF;
	p2 =	slt.u32 s8, $0xFFFFF086  }
0x1c: {  	p1 =	slt.u32 s9, $0xF7A;
	s5 =	simm.s32 @!p2 $0x0  }
0x1d: {  	s5 =	simm.s32 @p1 $0x1;
	p0 =	seq.s32 s7, s2  }
0x1e: {  	s7 =	smul.u32 @!p0 $0xF7A, s2;
	p2 =	seq.s32 @!p0 s5, $0x0  }
0x1f: {  	s9 =	smul.u32 $0xF7A, s1;
	s8 =	simm.s32 @!p0 $0x1BF5;
	p2 =	por !p2, p0  }
0x20: {  	[sflag:s8] =	ssyncset.s32 @!p0 $0xFFFFF086;
	s6 =	sadd.s32 @!p0 s3, s7;
	s7 =	simm.s32 @!p0 $0x108  }
0x21: {  	s3 =	sadd.s32 s3, s9;
	s6 =	sadd.s32 @!p0 $0x88, s6;
	s7 =	simm.s32 @p2 $0x1082  }
0x22: {  	[simem:s7], [sflag:s8] =	dma.local @!p0 [hbm:s6], $0xF7A  }
0x23: {  	s9 =	sor.u32 $0xD0000000, s2;
	s6 =	simm.s32 $0x108;
	_ =	swait.ge @!p0 [sflag:s8], $0x0  }
0x24: {  	s3 =	sadd.s32 $0x88, s3;
	s6 =	simm.s32 @!p1 $0x1082;
	[sflag:s4] =	ssyncset.s32 $0xFFFFF086  }
0x25: {  	[simem:s6], [sflag:s4] =	dma.local [hbm:s3], $0xF7A  }
0x26: {  	[smem:$0x3F99] =	sst s1;
	(tag) =	ssettag s2;
	_ =	strace s9  }
0x27: {  	s1 =	sld [smem:$0x3FA9]  }
0x28: {  	s2 =	sld [smem:$0x3FAA]  }
0x29: {  	s4 =	sld [smem:$0x3FAC]  }
0x2a: {  	p0 =	seq.s32 s5, $0x0;
	s5 =	sld [smem:$0x3FAD]  }
0x2b: {  	s6 =	sld [smem:$0x3FAE]  }
0x2c: {  	s7 =	sld [smem:$0x3FAF]  }
0x2d: {  	s3 =	simm.s32 $0x108;
	s8 =	sld [smem:$0x3FB0]  }
0x2e: {  	s3 =	simm.s32 @!p0 $0x1082;
	s9 =	sld [smem:$0x3FB1]  }
0x2f: {  	lr =	sadd.s32 s0, s3;
	s0 =	sld [smem:$0x3FA8]  }
0x30: {  	s3 =	sld [smem:$0x3FAB]  }
0x31: {  	[smem:$0x3FB4] =	sst s10  }
0x32: {  	s10 =	sld [smem:$0x3FB2];
	_ =	sdelay $0x3  }
0x33: {  	p0 =	seq.s32 s10, $0x1;
	s10 =	sld [smem:$0x3FB4];
	_ =	sdelay $0x3  }
0x34: {  	[smem:$0x3FB4] =	sst s10  }
0x35: {  	s10 =	sld [smem:$0x3FB3];
	_ =	sdelay $0x3  }
0x36: {  	p1 =	seq.s32 s10, $0x1;
	s10 =	sld [smem:$0x3FB4];
	_ =	sdelay $0x3  }
0x37: {  	[smem:$0x3FB4] =	sst s10  }
0x38: {  	s10 =	sld [smem:$0x3FB5]  }
0x39: {  	_ = 	snop;
	(pc) =	sbr.ind lr, $3  }
0x3a: {  	_ = 	snop  }
0x3b: {  	_ = 	snop  }
0x3c: {  	p2 =	seq.s32 s10, $0x1;
	s10 =	sld [smem:$0x3FB4]  }
0x3d: {  	_ =	shalt  }
0x3e: {  	_ =	shalt  }
0x3f: {  	_ =	shalt  }
0x40: {  	_ =	shalt  }
0x41: {  	_ =	shalt  }
0x42: {  	_ =	shalt  }
0x43: {  	_ =	shalt  }
0x44: {  	_ =	shalt  }
0x45: {  	_ =	shalt  }
0x46: {  	_ =	shalt  }
0x47: {  	_ =	shalt  }
0x48: {  	_ =	shalt  }
0x49: {  	_ =	shalt  }
0x4a: {  	_ =	shalt  }
0x4b: {  	_ =	shalt  }
0x4c: {  	_ =	shalt  }
0x4d: {  	_ =	shalt  }
0x4e: {  	_ =	shalt  }
0x4f: {  	_ =	shalt  }
0x50: {  	_ =	shalt  }
0x51: {  	_ =	shalt  }
0x52: {  	_ =	shalt  }
0x53: {  	_ =	shalt  }
0x54: {  	_ =	shalt  }
0x55: {  	_ =	shalt  }
0x56: {  	_ =	shalt  }
0x57: {  	_ =	shalt  }
0x58: {  	_ =	shalt  }
0x59: {  	_ =	shalt  }
0x5a: {  	_ =	shalt  }
0x5b: {  	_ =	shalt  }
0x5c: {  	_ =	shalt  }
0x5d: {  	_ =	shalt  }
0x5e: {  	_ =	shalt  }
0x5f: {  	_ =	shalt  }
0x60: {  	_ =	shalt  }
0x61: {  	_ =	shalt  }
0x62: {  	_ =	shalt  }
0x63: {  	_ =	shalt  }
0x64: {  	_ =	shalt  }
0x65: {  	_ =	shalt  }
0x66: {  	_ =	shalt  }
0x67: {  	_ =	shalt  }
0x68: {  	_ =	shalt  }
0x69: {  	_ =	shalt  }
0x6a: {  	_ =	shalt  }
0x6b: {  	_ =	shalt  }
0x6c: {  	_ =	shalt  }
0x6d: {  	_ =	shalt  }
0x6e: {  	_ =	shalt  }
0x6f: {  	_ =	shalt  }
0x70: {  	_ =	shalt  }
0x71: {  	_ =	shalt  }
0x72: {  	_ =	shalt  }
0x73: {  	_ =	shalt  }
0x74: {  	_ =	shalt  }
0x75: {  	_ =	shalt  }
0x76: {  	_ =	shalt  }
0x77: {  	_ =	shalt  }
0x78: {  	_ =	shalt  }
0x79: {  	_ =	shalt  }
0x7a: {  	_ =	shalt  }
0x7b: {  	_ =	shalt  }
0x7c: {  	_ =	shalt  }
0x7d: {  	_ =	shalt  }
0x7e: {  	_ =	shalt  }
0x7f: {  	_ =	shalt  }
0x80: {  	_ =	shalt  }
0x81: {  	_ =	shalt  }
0x82: {  	_ =	shalt  }
0x83: {  	_ =	shalt  }
0x84: {  	_ =	shalt  }
0x85: {  	_ =	shalt  }
0x86: {  	_ =	shalt  }
0x87: {  	_ =	shalt  }
.Lfunc_end0:
.L_simem_size_0:
called_computation_lowered:
.L_overlay_start_0:
0x88: {  	s2 =	sld [smem:$0x3FD9]  }
0x89: {  	s3 =	sld [smem:$0x3FFE];
	_ =	sdelay $0x1  }
0x8a: {  	s1 =	srdreg.scid  }
0x8b: {  	s0 =	sand.u32 $0x1, s1  }
0x8c: {  	s17 =	sshll.u32 s0, $0xA;
	s2 =	sadd.s32 s3, s2  }
0x8d: {  	s2 =	sadd.s32 s2, s17  }
0x8e: {  	[smem:$0x3FC0] =	sst s2  }
0x8f: {  	_ = 	snop  }
0x90: {  	s2 =	sld [smem:$0x3FD0];
	(tm) =	ssettm $0x1  }
0x91: {  	s18 =	sld [smem:$0x3FFB];
	_ =	sdelay $0x3  }
0x92: {  	_ =	strace s18  }
0x93: {  	s3 =	sld [smem:$0x3FFC];
	_ =	sdelay $0x3  }
0x94: {  	_ =	strace s3  }
0x95: {  	s3 =	sld [smem:$0x3FFD];
	_ =	sdelay $0x3  }
0x96: {  	_ =	strace s3  }
0x97: {  	_ =	strace $0x8FFFFFFF  }
0x98: {  	s19 =	sld [smem:$0x3FDB];
	_ =	sdelay $0x1  }
0x99: {  	s4 =	simm.s32 $_scs_section_size  }
0x9a: {  	s5 =	simm.s32 $_size__tile_overlayer_lowered;
	s6 =	simm.s32 $_tile_overlayer_lowered  }
0x9b: {  	s22 =	simm.s32 $0x1BFF;
	s21 =	sshll.u32 s6, $0x1;
	s3 =	sadd.s32 s4, s19  }
0x9c: {  	s7 =	simm.s32 $0x0;
	s20 =	sshll.u32 s5, $0x1;
	s5 =	sadd.s32 s21, s3  }
0x9d: {  	[timem:s7], [sflag:s22] =	dma.local [hbm:s5], s20  }
0x9e: {  	_ =	swait.ge [sflag:s22], s20  }
0x9f: {  	s4 =	ssub.s32 $0x0, s20;
	[sflag:s22] =	ssyncset.done $0x0  }
0xa0: {  	[sflag:s22] =	ssyncadd.s32 s4;
	_ =	sdelay $0x1  }
0xa1: {  	s23 =	simm.s32 $0x1B8B  }
0xa2: {  	_ =	swait.ge [sflag:s23], $0x1  }
0xa3: {  	[sflag:s23] =	ssyncset.done $0x0  }
0xa4: {  	s25 =	simm.s32 $0x1B8E;
	s24 =	sld [smem:$0x3FFE];
	[sflag:s23] =	ssyncadd.s32 $0xFFFFFFFF  }
0xa5: {  	s26 =	simm.s32 $execute0_lowered;
	[smem:$0x3FD2] =	sst s25  }
0xa6: {  	s5 =	sshll.u32 s26, $0x1;
	_ =	strace $0x80000046;
	[dreg:$0x1] =	wrdreg $0xFFFFFFFF  }
0xa7: {  	s28 =	simm.s32 $_size_execute0_lowered;
	s3 =	sadd.s32 s3, s5;
	[dreg:$0x0] =	wrdreg $0x0  }
0xa8: {  	s5 =	sshll.u32 s28, $0x1;
	[dreg:$0x2] =	wrdreg s3  }
0xa9: {  	[dreg:$0x3] =	wrdreg s5  }
0xaa: {  	[dreg:$0x4] =	wrdreg $0xC0  }
0xab: {  	_ =	task [dreg:s7], $0x5FFFF  }
0xac: {  	[dreg:$0x1] =	wrdreg $0xFFFFFFFF  }
0xad: {  	[dreg:$0x0] =	wrdreg $0x60  }
0xae: {  	[dreg:$0x2] =	wrdreg s24  }
0xaf: {  	[dreg:$0x3] =	wrdreg s2  }
0xb0: {  	[dreg:$0x4] =	wrdreg $0xE8000  }
0xb1: {  	[dreg:$0x5] =	wrdreg $0x9  }
0xb2: {  	_ =	task.clear_ibuf [dreg:s7], $0x6FFFF;
	_ =	strace $0x90000046  }
0xb3: {  	s29 =	simm.s32 $0x9;
	_ =	strace $0x80000048  }
0xb4: {  	_ =	swait.ge [sflag:s29], $0x1  }
0xb5: {  	[sflag:s29] =	ssyncadd.s32 $0xFFFFFFFF  }
0xb6: {  	_ =	strace $0x90000048  }
0xb7: {  	_ =	sfence  }
0xb8: {  	s30 =	sld [smem:$0x0];
	_ =	sdelay $0x2  }
0xb9: {  	s31 =	sshll.u32 s1, $0xD;
	s1 =	sshrl.u32 s1, $0x2  }
0xba: {  	s3 =	sand.u32 $0x4000, s31;
	s1 =	sadd.s32 s1, s30  }
0xbb: {  	s0 =	sor.u32 s3, s0;
	s1 =	sshll.u32 s1, $0x11  }
0xbc: {  	s0 =	sor.u32 s1, s0  }
0xbd: {  	s0 =	sadd.s32 $0x8F2B, s0  }
0xbe: {  	[sflag:s0] =	ssyncadd.remote.s32 $0x1  }
0xbf: {  	_ =	sfence.sel $0xFFFF  }
0xc0: {  	[dreg:$0x0] =	wrdreg $0xFFFFFFFF;
	(pc) =	sbr.abs _section_cstart, $3  }
0xc1: {  	[dreg:$0x1] =	wrdreg $0xFFFFFFFF  }
0xc2: {  	_ =	task.clear_ibuf [dreg:s7], $0x2FFFF;
	_ =	strace $0x9FFFFFFF  }
0xc3: {  	(tm) =	ssettm $0x7FFFFFFF  }
tec
execute0_lowered:
.L_overlay_start_1:
0x0: {  	(tag) =	ssettag $0x1  }
0x1: {  	s5 =	rddreg [dreg:$0x0]  }
0x2: {  	s9 =	rddreg [dreg:$0x1]  }
0x3: {  	s2 =	rddreg [dreg:$0x2]  }
0x4: {  	s0 =	srdreg.scid;
	s1 =	rddreg [dreg:$0x3]  }
0x5: {  	s3 =	simm.s32 $0x0;
	s16 =	simm.s32 $0x80;
	s6 =	sand.u32 $0x1, s0  }
0x6: {  	s17 =	simm.s32 $0xA000;
	s0 =	stileid.u32;
	s4 =	smul.u32 $0x9C400, s6  }
0x7: {  	s18 =	simm.s32 $0xB000;
	s19 =	simm.s32 $0x1;
	s7 =	smul.u32 $0x9C40, s0  }
0x8: {  	s20 =	simm.s32 $0xC000;
	s21 =	simm.s32 $0x2;
	s10 =	smul.u32 $0xA00, s0  }
0x9: {  	s22 =	simm.s32 $0x3;
	[smem:$0x7FF] =	sst s3;
	s12 =	smul.u32 $0x14000, s0  }
0xa: {  	s8 =	sshll.u32 s6, $0x4;
	s24 =	ssub.s32 $0x2, s6;
	s6 =	smul.u32 $0xA0000, s6  }
0xb: {  	s23 =	simm.s32 $0x4;
	_ =	strace $0x80000047;
	s14 =	smul.u32 $0xA000, s0  }
0xc: {  	s28 =	sshll.u32 s0, $0x6;
	s8 =	sor.u32 s0, s8;
	s26 =	sshrl.u32 s24, $0x1  }
0xd: {  	s4 =	sadd.s32 s7, s4;
	s8 =	smul.u32 $0x500, s8;
	s10 =	sadd.s32 s10, s5  }
0xe: {  	s25 =	sshrl.u32 s12, $0x2;
	s12 =	ssub.s32 s24, s26;
	s7 =	sshrl.u32 s7, $0x1  }
0xf: {  	s29 =	sadd.s32 s14, s6;
	s24 =	simm.s32 $0x0;
	s4 =	sshrl.u32 s4, $0x4  }
0x10: {  	s30 =	sadd.s32 s7, s2;
	s31 =	sshrl.u32 s29, $0x4;
	s7 =	sadd.s32 $0x21200, s10  }
0x11: {  	s11 =	sadd.s32 s4, s5;
	s4 =	sadd.s32 $0x2E00, s5;
	s13 =	sadd.s32 s8, s5  }
0x12: {  	s8 =	sadd.s32 s25, s2;
	s5 =	sor.u32 $0x1C05, s28;
	s9 =	sadd.s32 s9, s31  }
0x13: {  	s14 =	sshrl.u32 s30, $0x3;
	s15 =	sadd.s32 $0x4E200, s8;
	s6 =	sadd.s32 $0x3800, s11  }
0x14: {  	s8 =	sadd.s32 $0x17200, s10;
	s10 =	sadd.s32 $0x2B200, s13;
	s11 =	smax.u32 s12, $0x1  }
0x15: {  	v0 =	vimm.f32 $0.0e+00;
	v1 =	vimm.f32 $1.000000000e+00;
	s13 =	simm.s32 $0x5;
	s12 =	sshrl.u32 s15, $0x3;
	s15 =	simm.s32 $0x5000  }
.LBB2_1:
0x16: {  	[spmem:s12], [sflag:s5] =	dma.local [hbm:s4], $0xA00  }
0x17: {  	_ =	swait.ge [sflag:s13], $0xA00  }
0x18: {  	[sflag:s13] =	ssyncset.done $0x0  }
0x19: {  	s25 =	simm.s32 $0x40;
	s26 =	simm.s32 $0x0;
	[sflag:s13] =	ssyncadd.s32 $0xFFFFF600  }
.LBB2_2:
0x1a: {  	p0 =	sne.s32 s25, $0x9FC0;
	[tilespmem:s26+$0xC000] =	vst v0;
	s26 =	smov.u32 s25;
	s25 =	sadd.s32 $0x40, s25  }
.Ltmp0:
0x1b: {  	(pc) =	sbr.rel @p0 .LBB2_2-.Ltmp0, $2  }
0x1c: {  	_ =	sdelay $0x2  }
0x1d: {  	s26 =	sshra.s32 s26, $0x2  }
0x1e: {  	[tilespmem:s26+$0xC000] =	vst v0  }
0x1f: {  	[spmem:s14], [sflag:s5] =	dma.local [hbm:s6], $0x9C4  }
0x20: {  	_ =	swait.ge [sflag:s13], $0x9C4  }
0x21: {  	[sflag:s13] =	ssyncset.done $0x0  }
0x22: {  	[sflag:s13] =	ssyncadd.s32 $0xFFFFF63C  }
0x23: {  	[tilespmem:s3], [sflag:$0x5] =	stream.linear.gather [hbm4b:s7+s3], $0x5000, $0x38;
	[tilespmem:$0x18620] =	vst v63  }
0x24: {  	_ =	swait.ge [sflag:s13], $0x5000  }
0x25: {  	[sflag:s13] =	ssyncset.done $0x0  }
0x26: {  	[sflag:s13] =	ssyncadd.s32 $0xFFFFB000  }
0x27: {  	[tilespmem:s15], [sflag:$0x5] =	stream.linear.gather [hbm4b:s8+s3], $0x5000, $0x38;
	[tilespmem:$0x18620] =	vst v63  }
0x28: {  	_ =	swait.ge [sflag:s13], $0x5000  }
0x29: {  	[sflag:s13] =	ssyncset.done $0x0  }
0x2a: {  	[sflag:s13] =	ssyncadd.s32 $0xFFFFB000  }
0x2b: {  	[bflag:$0x0] =	sbarrier.arrive $0xFFFF  }
0x2c: {  	[tilespmem:s17], [sflag:$0x1] =	stream.indirect.gather [spmem:s2], $0x20, s3, s16, $0xb8;
	[tilespmem:$0x18620] =	vst v63  }
0x2d: {  	s25 =	simm.s32 $0x600  }
0x2e: {  	[tilespmem:s18], [sflag:$0x2] =	stream.indirect.gather [spmem:s2], $0x20, s16, s16, $0xb8;
	[tilespmem:$0x18620] =	vst v63  }
.LBB2_4:
0x2f: {  	_ =	swait.ge [sflag:s19], $0x1000  }
0x30: {  	s26 =	sshra.s32 s25, $0x2;
	[sflag:s19] =	ssyncset.done $0x0  }
0x31: {  	s28 =	sadd.s32 $0x4E80, s26;
	[sflag:s19] =	ssyncadd.s32 $0xFFFFF000  }
0x32: {  	[spmem:s2] =	stream.indirect.scatter.add.bf16 [tilespmem:s17], [sflag:$0x3], $0x20, s28, s16, $0xb8;
	[tilespmem:$0x18620] =	vst v63  }
0x33: {  	v2 =	vld [tilespmem:s26+$0x4E80];
	_ =	sdelay $0x4  }
0x34: {  	v2 =	vadd.s32 $0xFFFFD8F0, v2;
	_ =	sdelay $0x4  }
0x35: {  	[tilespmem:v2+s20+$0x0] =	vst.idx.add.f32.msk $0xffff, v1  }
0x36: {  	v2 =	vld [tilespmem:s26+$0x4E90];
	_ =	sdelay $0x4  }
0x37: {  	v2 =	vadd.s32 $0xFFFFD8F0, v2;
	_ =	sdelay $0x4  }
0x38: {  	[tilespmem:v2+s20+$0x0] =	vst.idx.add.f32.msk $0xffff, v1  }
0x39: {  	v2 =	vld [tilespmem:s26+$0x4EA0];
	_ =	sdelay $0x4  }
0x3a: {  	v2 =	vadd.s32 $0xFFFFD8F0, v2;
	_ =	sdelay $0x4  }
0x3b: {  	[tilespmem:v2+s20+$0x0] =	vst.idx.add.f32.msk $0xffff, v1  }
0x3c: {  	v2 =	vld [tilespmem:s26+$0x4EB0];
	_ =	sdelay $0x4  }
0x3d: {  	v2 =	vadd.s32 $0xFFFFD8F0, v2;
	_ =	sdelay $0x4  }
0x3e: {  	[tilespmem:v2+s20+$0x0] =	vst.idx.add.f32.msk $0xffff, v1  }
0x3f: {  	v2 =	vld [tilespmem:s26+$0x4EC0];
	_ =	sdelay $0x4  }
0x40: {  	v2 =	vadd.s32 $0xFFFFD8F0, v2;
	_ =	sdelay $0x4  }
0x41: {  	[tilespmem:v2+s20+$0x0] =	vst.idx.add.f32.msk $0xffff, v1  }
0x42: {  	v2 =	vld [tilespmem:s26+$0x4ED0];
	_ =	sdelay $0x4  }
0x43: {  	v2 =	vadd.s32 $0xFFFFD8F0, v2;
	_ =	sdelay $0x4  }
0x44: {  	[tilespmem:v2+s20+$0x0] =	vst.idx.add.f32.msk $0xffff, v1  }
0x45: {  	v2 =	vld [tilespmem:s26+$0x4EE0];
	_ =	sdelay $0x4  }
0x46: {  	v2 =	vadd.s32 $0xFFFFD8F0, v2;
	_ =	sdelay $0x4  }
0x47: {  	[tilespmem:v2+s20+$0x0] =	vst.idx.add.f32.msk $0xffff, v1  }
0x48: {  	v2 =	vld [tilespmem:s26+$0x4EF0];
	_ =	sdelay $0x4  }
0x49: {  	v2 =	vadd.s32 $0xFFFFD8F0, v2;
	_ =	sdelay $0x4  }
0x4a: {  	[tilespmem:v2+s20+$0x0] =	vst.idx.add.f32.msk $0xffff, v1  }
0x4b: {  	_ =	swait.ge [sflag:s21], $0x1000  }
0x4c: {  	[sflag:s21] =	ssyncset.done $0x0  }
0x4d: {  	[sflag:s21] =	ssyncadd.s32 $0xFFFFF000  }
0x4e: {  	p0 =	seq.s32 s25, $0x14200;
	s28 =	sadd.s32 $0xFFFFFE00, s25;
	_ =	swait.ge [sflag:s22], $0x1000  }
0x4f: {  	s28 =	simm.s32 @p0 $0x0;
	[sflag:s22] =	ssyncset.done $0x0  }
0x50: {  	s28 =	sshra.s32 s28, $0x2;
	[sflag:s22] =	ssyncadd.s32 $0xFFFFF000  }
0x51: {  	[tilespmem:s17], [sflag:$0x1] =	stream.indirect.gather [spmem:s2], $0x20, s28, s16, $0xb8;
	[tilespmem:$0x18620] =	vst v63  }
0x52: {  	s30 =	sadd.s32 $0x4F00, s26  }
0x53: {  	[spmem:s2] =	stream.indirect.scatter.add.bf16 [tilespmem:s18], [sflag:$0x4], $0x20, s30, s16, $0xb8;
	[tilespmem:$0x18620] =	vst v63  }
0x54: {  	v2 =	vld [tilespmem:s26+$0x4F00];
	_ =	sdelay $0x4  }
0x55: {  	v2 =	vadd.s32 $0xFFFFD8F0, v2;
	_ =	sdelay $0x4  }
0x56: {  	[tilespmem:v2+s20+$0x0] =	vst.idx.add.f32.msk $0xffff, v1  }
0x57: {  	v2 =	vld [tilespmem:s26+$0x4F10];
	_ =	sdelay $0x4  }
0x58: {  	v2 =	vadd.s32 $0xFFFFD8F0, v2;
	_ =	sdelay $0x4  }
0x59: {  	[tilespmem:v2+s20+$0x0] =	vst.idx.add.f32.msk $0xffff, v1  }
0x5a: {  	v2 =	vld [tilespmem:s26+$0x4F20];
	_ =	sdelay $0x4  }
0x5b: {  	v2 =	vadd.s32 $0xFFFFD8F0, v2;
	_ =	sdelay $0x4  }
0x5c: {  	[tilespmem:v2+s20+$0x0] =	vst.idx.add.f32.msk $0xffff, v1  }
0x5d: {  	v2 =	vld [tilespmem:s26+$0x4F30];
	_ =	sdelay $0x4  }
0x5e: {  	v2 =	vadd.s32 $0xFFFFD8F0, v2;
	_ =	sdelay $0x4  }
0x5f: {  	[tilespmem:v2+s20+$0x0] =	vst.idx.add.f32.msk $0xffff, v1  }
0x60: {  	v2 =	vld [tilespmem:s26+$0x4F40];
	_ =	sdelay $0x4  }
0x61: {  	v2 =	vadd.s32 $0xFFFFD8F0, v2;
	_ =	sdelay $0x4  }
0x62: {  	[tilespmem:v2+s20+$0x0] =	vst.idx.add.f32.msk $0xffff, v1  }
0x63: {  	v2 =	vld [tilespmem:s26+$0x4F50];
	_ =	sdelay $0x4  }
0x64: {  	v2 =	vadd.s32 $0xFFFFD8F0, v2;
	_ =	sdelay $0x4  }
0x65: {  	[tilespmem:v2+s20+$0x0] =	vst.idx.add.f32.msk $0xffff, v1  }
0x66: {  	v2 =	vld [tilespmem:s26+$0x4F60];
	_ =	sdelay $0x4  }
0x67: {  	v2 =	vadd.s32 $0xFFFFD8F0, v2;
	_ =	sdelay $0x4  }
0x68: {  	[tilespmem:v2+s20+$0x0] =	vst.idx.add.f32.msk $0xffff, v1  }
0x69: {  	v2 =	vld [tilespmem:s26+$0x4F70];
	_ =	sdelay $0x4  }
0x6a: {  	v2 =	vadd.s32 $0xFFFFD8F0, v2;
	_ =	sdelay $0x4  }
0x6b: {  	p1 =	sne.s32 s25, $0x14200;
	[tilespmem:v2+s20+$0x0] =	vst.idx.add.f32.msk $0xffff, v1  }
.Ltmp1:
0x6c: {  	_ =	swait.ge [sflag:s23], $0x1000;
	(pc) =	sbr.rel @p1 .LBB2_4-.Ltmp1, $4  }
0x6d: {  	s31 =	sadd.s32 $0x400, s25;
	s25 =	simm.s32 @p0 $0x200;
	[sflag:s23] =	ssyncset.done $0x0  }
0x6e: {  	s25 =	sshra.s32 s25, $0x2;
	[sflag:s23] =	ssyncadd.s32 $0xFFFFF000  }
0x6f: {  	[tilespmem:s18], [sflag:$0x2] =	stream.indirect.gather [spmem:s2], $0x20, s25, s16, $0xb8;
	[tilespmem:$0x18620] =	vst v63  }
0x70: {  	s25 =	smov.u32 s31  }
0x71: {  	_ =	swait.ge [sflag:s19], $0x1000  }
0x72: {  	[sflag:s19] =	ssyncset.done $0x0  }
0x73: {  	[sflag:s19] =	ssyncadd.s32 $0xFFFFF000  }
0x74: {  	_ =	swait.ge [sflag:s21], $0x1000  }
0x75: {  	[sflag:s21] =	ssyncset.done $0x0  }
0x76: {  	[sflag:s21] =	ssyncadd.s32 $0xFFFFF000  }
0x77: {  	[bflag:$0x0] =	sbarrier.arrive $0xFFFF  }
0x78: {  	[hbm:s9], [sflag:s5] =	dma.local [spmem:s12], $0xA00  }
0x79: {  	s24 =	sadd.s32 $0x1, s24;
	_ =	swait.ge [sflag:s13], $0xA00  }
0x7a: {  	p0 =	sne.s32 s24, s11;
	[sflag:s13] =	ssyncset.done $0x0  }
.Ltmp2:
0x7b: {  	[sflag:s13] =	ssyncadd.s32 $0xFFFFF600;
	(pc) =	sbr.rel @p0 .LBB2_1-.Ltmp2, $4  }
0x7c: {  	[hbm4b:s10+s3] =	stream.linear.scatter [tilespmem:s20], [sflag:$0x5], $0x2800, $0x38;
	[tilespmem:$0x18620] =	vst v63  }
0x7d: {  	_ =	swait.ge [sflag:s13], $0x2800  }
0x7e: {  	[sflag:s13] =	ssyncset.done $0x0  }
0x7f: {  	[sflag:s13] =	ssyncadd.s32 $0xFFFFD800  }
0x80: {  	_ =	sfence.sel $0x180000  }
0x81: {  	[bflag:$0x0] =	sbarrier.arrive $0xFFFF  }
0x82: {  	p0 =	sne.s32 s0, $0x0;
	_ =	strace $0x90000047  }
0x83: {  	s0 =	sadd.s32 @!p0 $0x100000, s1;
	[bflag:$0x2] =	sbarrier.arrive $0xFFFF  }
0x84: {  	[sflag:s0] =	ssyncadd.tile.s32 @!p0 $0x1;
	_ =	shalt  }
.Lfunc_end2:
_tile_overlayer_lowered:
.L_overlay_start_2:
0x85: {  	(tag) =	ssettag $0x2  }
0x86: {  	s0 =	rddreg [dreg:$0x0];
	s2 =	stileid.u32  }
0x87: {  	s1 =	rddreg [dreg:$0x1];
	p0 =	sne.s32 s2, $0x0  }
0x88: {  	s3 =	rddreg [dreg:$0x2];
	[bflag:$0x3] =	sbarrier.arrive $0xFFFF;
	s2 =	simm.s32 @!p0 $0x1C05  }
0x89: {  	[timem:s3], [sflag:s2] =	dma.local @!p0 [hbm:s0], s1  }
0x8a: {  	s0 =	simm.s32 @!p0 $0x5  }
0x8b: {  	_ =	swait.ge @!p0 [sflag:s0], s1  }
0x8c: {  	s1 =	ssub.s32 @!p0 $0x0, s1;
	[sflag:s0] =	ssyncset.done @!p0 $0x0  }
0x8d: {  	[sflag:s0] =	ssyncadd.s32 @!p0 s1  }
0x8e: {  	[bflag:$0x3] =	sbarrier.arrive $0xFFFF  }
0x8f: {  	_ =	shalt  }

</sc_bundles>
